<compile_context>
chip_gen: v7x
topology: tpu7x:2x2x1
jax: 0.10.2.dev20260603
libtpu: 0.0.44.dev20260713+nightly
codegen_flags: <defaults>
</compile_context>

<pallas_src>
import functools

import jax
import jax.numpy as jnp
from jax import lax
from jax.experimental import pallas as pl
from jax.experimental.pallas import tpu as pltpu
from jax.experimental.pallas import tpu_sc as plsc

VOCAB = 100000
EMBED = 64
BATCH = 1024



@functools.lru_cache(maxsize=None)
def _make_sc_gather_t(V, D, B):
    info = plsc.get_sparse_core_info()
    NC, NS = info.num_cores, info.num_subcores
    NW = NC * NS
    assert D % NW == 0 and B % 16 == 0
    rows_per_w = D // NW
    mesh = plsc.VectorSubcoreMesh(core_axis_name="c", subcore_axis_name="s")

    @functools.partial(
        pl.kernel,
        mesh=mesh,
        out_type=jax.ShapeDtypeStruct((D, B), jnp.float32),
        scratch_types=[
            pltpu.VMEM((B,), jnp.int32),
            pltpu.VMEM((V,), jnp.float32),
            pltpu.VMEM((B,), jnp.float32),
        ],
        compiler_params=pltpu.CompilerParams(needs_layout_passes=False),
    )
    def gather(table_hbm, idx_hbm, out_hbm, idx_v, row_v, out_v):
        wid = lax.axis_index("s") * NC + lax.axis_index("c")
        pltpu.sync_copy(idx_hbm, idx_v)
        idx_vecs = [idx_v[pl.ds(16 * j, 16)] for j in range(B // 16)]
        for r in range(rows_per_w):
            e = wid * rows_per_w + r
            pltpu.sync_copy(table_hbm.at[e], row_v)
            for j in range(B // 16):
                out_v[pl.ds(16 * j, 16)] = plsc.load_gather(row_v, [idx_vecs[j]])
            pltpu.sync_copy(out_v, out_hbm.at[e])

    return gather



BN = 3072


def _proj_body(wt_ref, b_ref, embt_ref, outt_ref):
    b_row = b_ref[...].reshape(1, b_ref.shape[0])
    wb = jnp.concatenate([wt_ref[...], b_row], axis=0)
    ea = jnp.concatenate(
        [embt_ref[...], jnp.ones((1, embt_ref.shape[1]), jnp.float32)], axis=0
    )
    outt_ref[...] = lax.dot_general(
        wb, ea, (((0,), (0,)), ((), ())), preferred_element_type=jnp.float32
    )


@functools.lru_cache(maxsize=None)
def _make_proj_t(V, D, B):
    grid = pl.cdiv(V, BN)
    return pl.pallas_call(
        _proj_body,
        grid=(grid,),
        in_specs=[
            pl.BlockSpec((D, BN), lambda i: (0, i)),
            pl.BlockSpec((BN,), lambda i: (i,)),
            pl.BlockSpec((D, B), lambda i: (0, 0)),
        ],
        out_specs=pl.BlockSpec((BN, B), lambda i: (i, 0)),
        out_shape=jax.ShapeDtypeStruct((V, B), jnp.float32),
        compiler_params=pltpu.CompilerParams(
            dimension_semantics=("arbitrary",),
        ),
    )


@jax.jit
def kernel(center, emb_table, W, b):
    table_t = emb_table.T
    wt = W.T
    embt = _make_sc_gather_t(VOCAB, EMBED, BATCH)(table_t, center)
    outt = _make_proj_t(VOCAB, EMBED, BATCH)(wt, b, embt)
    return outt.T

# --- scband reference (transcript-rebuilt; emitter-appended) ---
"""Pipeline reference for scband-word-embedding-80968723464735 (READ-ONLY COPY).

The authoritative reference and input builder live on the scoring server;
editing this copy changes nothing except your own understanding.
"""

import jax, jax.numpy as jnp
import numpy as np

VOCAB = 100000
EMBED = 64
BATCH = 1024

def setup_inputs(seed: int = 0) -> dict:
    key = jax.random.key(seed)
    k1, k2, k3, k4 = jax.random.split(key, 4)
    center = jax.random.randint(k1, (BATCH,), 0, VOCAB, dtype=jnp.int64 if jax.config.jax_enable_x64 else jnp.int32).astype(jnp.int32)
    emb_table = jax.random.normal(k2, (VOCAB, EMBED), dtype=jnp.float32)
    W = jax.random.normal(k3, (VOCAB, EMBED), dtype=jnp.float32) * (1.0 / np.sqrt(EMBED))
    b = jax.random.normal(k4, (VOCAB,), dtype=jnp.float32) * 0.01
    return {"center": center, "emb_table": emb_table, "W": W, "b": b}

def reference(center, emb_table, W, b):
    # emb = self.inBeded(center)
    emb = jnp.take(emb_table, center, axis=0)  # [B, EMBED]
    # out = self.outEmbed(emb)  -> Linear(embeddingDim, vocabSize)
    out = emb @ W.T + b  # [B, VOCAB]
    return out

if __name__ == "__main__":
    import jax
    _d = setup_inputs()
    print(jax.jit(kernel)(*tuple(_d.values())))

</pallas_src>

<mosaic_0001>
#map = affine_map<(d0, d1) -> (0, 0)>
#map1 = affine_map<(d0, d1) -> (0)>
module attributes {stable_mosaic.version = 14 : i64} {
  func.func @gather(%arg0: i32, %arg1: i32, %arg2: memref<64x100000xf32, #tpu.memory_space<hbm>>, %arg3: memref<1024xi32, #tpu.memory_space<hbm>>, %arg4: memref<64x1024xf32, #tpu.memory_space<hbm>>, %arg5: memref<1024xi32, #tpu.memory_space<vmem>>, %arg6: memref<100000xf32, #tpu.memory_space<vmem>>, %arg7: memref<1024xf32, #tpu.memory_space<vmem>>) attributes {dimension_semantics = [#tpu.dimension_semantics<core_parallel>, #tpu.dimension_semantics<subcore_parallel>], iteration_bounds = array<i64: 2, 16>, scalar_prefetch = 0 : i64, scratch_operands = 3 : i64, tpu.core_type = #tpu.core_type<sc_vector_subcore>, window_params = [{transform_indices = #map}, {transform_indices = #map1}, {transform_indices = #map}]} {
    %mul3A = arith.constant 2 : i32
    %mul3A_0 = arith.muli %arg1, %mul3A : i32
    %add3A = arith.addi %mul3A_0, %arg0 : i32
    "tpu.region"() ({
      %run_scoped3A = tpu.sem_alloc : memref<!tpu.dma_semaphore, #tpu.memory_space<semaphore_mem>>
      tpu.enqueue_dma source(%arg3 : memref<1024xi32, #tpu.memory_space<hbm>>) target(%arg5 : memref<1024xi32, #tpu.memory_space<vmem>>) target_semaphore(%run_scoped3A : memref<!tpu.dma_semaphore, #tpu.memory_space<semaphore_mem>>)
      tpu.wait_dma2 semaphore(%run_scoped3A : memref<!tpu.dma_semaphore, #tpu.memory_space<semaphore_mem>>) src(%arg3 : memref<1024xi32, #tpu.memory_space<hbm>>) dst(%arg5 : memref<1024xi32, #tpu.memory_space<vmem>>)
      tpu.yield
    }) : () -> ()
    %get3A = arith.constant 0 : index
    %get3A_1 = tpu.vector_load %arg5[%get3A] {strides = array<i32>} : memref<1024xi32, #tpu.memory_space<vmem>>, vector<16xi32>,
    %get3A_2 = arith.constant 16 : index
    %get3A_3 = tpu.vector_load %arg5[%get3A_2] {strides = array<i32>} : memref<1024xi32, #tpu.memory_space<vmem>>, vector<16xi32>,
    %get3A_4 = arith.constant 32 : index
    %get3A_5 = tpu.vector_load %arg5[%get3A_4] {strides = array<i32>} : memref<1024xi32, #tpu.memory_space<vmem>>, vector<16xi32>,
    %get3A_6 = arith.constant 48 : index
    %get3A_7 = tpu.vector_load %arg5[%get3A_6] {strides = array<i32>} : memref<1024xi32, #tpu.memory_space<vmem>>, vector<16xi32>,
    %get3A_8 = arith.constant 64 : index
    %get3A_9 = tpu.vector_load %arg5[%get3A_8] {strides = array<i32>} : memref<1024xi32, #tpu.memory_space<vmem>>, vector<16xi32>,
    %get3A_10 = arith.constant 80 : index
    %get3A_11 = tpu.vector_load %arg5[%get3A_10] {strides = array<i32>} : memref<1024xi32, #tpu.memory_space<vmem>>, vector<16xi32>,
    %get3A_12 = arith.constant 96 : index
    %get3A_13 = tpu.vector_load %arg5[%get3A_12] {strides = array<i32>} : memref<1024xi32, #tpu.memory_space<vmem>>, vector<16xi32>,
    %get3A_14 = arith.constant 112 : index
    %get3A_15 = tpu.vector_load %arg5[%get3A_14] {strides = array<i32>} : memref<1024xi32, #tpu.memory_space<vmem>>, vector<16xi32>,
    %get3A_16 = arith.constant 128 : index
    %get3A_17 = tpu.vector_load %arg5[%get3A_16] {strides = array<i32>} : memref<1024xi32, #tpu.memory_space<vmem>>, vector<16xi32>,
    %get3A_18 = arith.constant 144 : index
    %get3A_19 = tpu.vector_load %arg5[%get3A_18] {strides = array<i32>} : memref<1024xi32, #tpu.memory_space<vmem>>, vector<16xi32>,
    %get3A_20 = arith.constant 160 : index
    %get3A_21 = tpu.vector_load %arg5[%get3A_20] {strides = array<i32>} : memref<1024xi32, #tpu.memory_space<vmem>>, vector<16xi32>,
    %get3A_22 = arith.constant 176 : index
    %get3A_23 = tpu.vector_load %arg5[%get3A_22] {strides = array<i32>} : memref<1024xi32, #tpu.memory_space<vmem>>, vector<16xi32>,
    %get3A_24 = arith.constant 192 : index
    %get3A_25 = tpu.vector_load %arg5[%get3A_24] {strides = array<i32>} : memref<1024xi32, #tpu.memory_space<vmem>>, vector<16xi32>,
    %get3A_26 = arith.constant 208 : index
    %get3A_27 = tpu.vector_load %arg5[%get3A_26] {strides = array<i32>} : memref<1024xi32, #tpu.memory_space<vmem>>, vector<16xi32>,
    %get3A_28 = arith.constant 224 : index
    %get3A_29 = tpu.vector_load %arg5[%get3A_28] {strides = array<i32>} : memref<1024xi32, #tpu.memory_space<vmem>>, vector<16xi32>,
    %get3A_30 = arith.constant 240 : index
    %get3A_31 = tpu.vector_load %arg5[%get3A_30] {strides = array<i32>} : memref<1024xi32, #tpu.memory_space<vmem>>, vector<16xi32>,
    %get3A_32 = arith.constant 256 : index
    %get3A_33 = tpu.vector_load %arg5[%get3A_32] {strides = array<i32>} : memref<1024xi32, #tpu.memory_space<vmem>>, vector<16xi32>,
    %get3A_34 = arith.constant 272 : index
    %get3A_35 = tpu.vector_load %arg5[%get3A_34] {strides = array<i32>} : memref<1024xi32, #tpu.memory_space<vmem>>, vector<16xi32>,
    %get3A_36 = arith.constant 288 : index
    %get3A_37 = tpu.vector_load %arg5[%get3A_36] {strides = array<i32>} : memref<1024xi32, #tpu.memory_space<vmem>>, vector<16xi32>,
    %get3A_38 = arith.constant 304 : index
    %get3A_39 = tpu.vector_load %arg5[%get3A_38] {strides = array<i32>} : memref<1024xi32, #tpu.memory_space<vmem>>, vector<16xi32>,
    %get3A_40 = arith.constant 320 : index
    %get3A_41 = tpu.vector_load %arg5[%get3A_40] {strides = array<i32>} : memref<1024xi32, #tpu.memory_space<vmem>>, vector<16xi32>,
    %get3A_42 = arith.constant 336 : index
    %get3A_43 = tpu.vector_load %arg5[%get3A_42] {strides = array<i32>} : memref<1024xi32, #tpu.memory_space<vmem>>, vector<16xi32>,
    %get3A_44 = arith.constant 352 : index
    %get3A_45 = tpu.vector_load %arg5[%get3A_44] {strides = array<i32>} : memref<1024xi32, #tpu.memory_space<vmem>>, vector<16xi32>,
    %get3A_46 = arith.constant 368 : index
    %get3A_47 = tpu.vector_load %arg5[%get3A_46] {strides = array<i32>} : memref<1024xi32, #tpu.memory_space<vmem>>, vector<16xi32>,
    %get3A_48 = arith.constant 384 : index
    %get3A_49 = tpu.vector_load %arg5[%get3A_48] {strides = array<i32>} : memref<1024xi32, #tpu.memory_space<vmem>>, vector<16xi32>,
    %get3A_50 = arith.constant 400 : index
    %get3A_51 = tpu.vector_load %arg5[%get3A_50] {strides = array<i32>} : memref<1024xi32, #tpu.memory_space<vmem>>, vector<16xi32>,
    %get3A_52 = arith.constant 416 : index
    %get3A_53 = tpu.vector_load %arg5[%get3A_52] {strides = array<i32>} : memref<1024xi32, #tpu.memory_space<vmem>>, vector<16xi32>,
    %get3A_54 = arith.constant 432 : index
    %get3A_55 = tpu.vector_load %arg5[%get3A_54] {strides = array<i32>} : memref<1024xi32, #tpu.memory_space<vmem>>, vector<16xi32>,
    %get3A_56 = arith.constant 448 : index
    %get3A_57 = tpu.vector_load %arg5[%get3A_56] {strides = array<i32>} : memref<1024xi32, #tpu.memory_space<vmem>>, vector<16xi32>,
    %get3A_58 = arith.constant 464 : index
    %get3A_59 = tpu.vector_load %arg5[%get3A_58] {strides = array<i32>} : memref<1024xi32, #tpu.memory_space<vmem>>, vector<16xi32>,
    %get3A_60 = arith.constant 480 : index
    %get3A_61 = tpu.vector_load %arg5[%get3A_60] {strides = array<i32>} : memref<1024xi32, #tpu.memory_space<vmem>>, vector<16xi32>,
    %get3A_62 = arith.constant 496 : index
    %get3A_63 = tpu.vector_load %arg5[%get3A_62] {strides = array<i32>} : memref<1024xi32, #tpu.memory_space<vmem>>, vector<16xi32>,
    %get3A_64 = arith.constant 512 : index
    %get3A_65 = tpu.vector_load %arg5[%get3A_64] {strides = array<i32>} : memref<1024xi32, #tpu.memory_space<vmem>>, vector<16xi32>,
    %get3A_66 = arith.constant 528 : index
    %get3A_67 = tpu.vector_load %arg5[%get3A_66] {strides = array<i32>} : memref<1024xi32, #tpu.memory_space<vmem>>, vector<16xi32>,
    %get3A_68 = arith.constant 544 : index
    %get3A_69 = tpu.vector_load %arg5[%get3A_68] {strides = array<i32>} : memref<1024xi32, #tpu.memory_space<vmem>>, vector<16xi32>,
    %get3A_70 = arith.constant 560 : index
    %get3A_71 = tpu.vector_load %arg5[%get3A_70] {strides = array<i32>} : memref<1024xi32, #tpu.memory_space<vmem>>, vector<16xi32>,
    %get3A_72 = arith.constant 576 : index
    %get3A_73 = tpu.vector_load %arg5[%get3A_72] {strides = array<i32>} : memref<1024xi32, #tpu.memory_space<vmem>>, vector<16xi32>,
    %get3A_74 = arith.constant 592 : index
    %get3A_75 = tpu.vector_load %arg5[%get3A_74] {strides = array<i32>} : memref<1024xi32, #tpu.memory_space<vmem>>, vector<16xi32>,
    %get3A_76 = arith.constant 608 : index
    %get3A_77 = tpu.vector_load %arg5[%get3A_76] {strides = array<i32>} : memref<1024xi32, #tpu.memory_space<vmem>>, vector<16xi32>,
    %get3A_78 = arith.constant 624 : index
    %get3A_79 = tpu.vector_load %arg5[%get3A_78] {strides = array<i32>} : memref<1024xi32, #tpu.memory_space<vmem>>, vector<16xi32>,
    %get3A_80 = arith.constant 640 : index
    %get3A_81 = tpu.vector_load %arg5[%get3A_80] {strides = array<i32>} : memref<1024xi32, #tpu.memory_space<vmem>>, vector<16xi32>,
    %get3A_82 = arith.constant 656 : index
    %get3A_83 = tpu.vector_load %arg5[%get3A_82] {strides = array<i32>} : memref<1024xi32, #tpu.memory_space<vmem>>, vector<16xi32>,
    %get3A_84 = arith.constant 672 : index
    %get3A_85 = tpu.vector_load %arg5[%get3A_84] {strides = array<i32>} : memref<1024xi32, #tpu.memory_space<vmem>>, vector<16xi32>,
    %get3A_86 = arith.constant 688 : index
    %get3A_87 = tpu.vector_load %arg5[%get3A_86] {strides = array<i32>} : memref<1024xi32, #tpu.memory_space<vmem>>, vector<16xi32>,
    %get3A_88 = arith.constant 704 : index
    %get3A_89 = tpu.vector_load %arg5[%get3A_88] {strides = array<i32>} : memref<1024xi32, #tpu.memory_space<vmem>>, vector<16xi32>,
    %get3A_90 = arith.constant 720 : index
    %get3A_91 = tpu.vector_load %arg5[%get3A_90] {strides = array<i32>} : memref<1024xi32, #tpu.memory_space<vmem>>, vector<16xi32>,
    %get3A_92 = arith.constant 736 : index
    %get3A_93 = tpu.vector_load %arg5[%get3A_92] {strides = array<i32>} : memref<1024xi32, #tpu.memory_space<vmem>>, vector<16xi32>,
    %get3A_94 = arith.constant 752 : index
    %get3A_95 = tpu.vector_load %arg5[%get3A_94] {strides = array<i32>} : memref<1024xi32, #tpu.memory_space<vmem>>, vector<16xi32>,
    %get3A_96 = arith.constant 768 : index
    %get3A_97 = tpu.vector_load %arg5[%get3A_96] {strides = array<i32>} : memref<1024xi32, #tpu.memory_space<vmem>>, vector<16xi32>,
    %get3A_98 = arith.constant 784 : index
    %get3A_99 = tpu.vector_load %arg5[%get3A_98] {strides = array<i32>} : memref<1024xi32, #tpu.memory_space<vmem>>, vector<16xi32>,
    %get3A_100 = arith.constant 800 : index
    %get3A_101 = tpu.vector_load %arg5[%get3A_100] {strides = array<i32>} : memref<1024xi32, #tpu.memory_space<vmem>>, vector<16xi32>,
    %get3A_102 = arith.constant 816 : index
    %get3A_103 = tpu.vector_load %arg5[%get3A_102] {strides = array<i32>} : memref<1024xi32, #tpu.memory_space<vmem>>, vector<16xi32>,
    %get3A_104 = arith.constant 832 : index
    %get3A_105 = tpu.vector_load %arg5[%get3A_104] {strides = array<i32>} : memref<1024xi32, #tpu.memory_space<vmem>>, vector<16xi32>,
    %get3A_106 = arith.constant 848 : index
    %get3A_107 = tpu.vector_load %arg5[%get3A_106] {strides = array<i32>} : memref<1024xi32, #tpu.memory_space<vmem>>, vector<16xi32>,
    %get3A_108 = arith.constant 864 : index
    %get3A_109 = tpu.vector_load %arg5[%get3A_108] {strides = array<i32>} : memref<1024xi32, #tpu.memory_space<vmem>>, vector<16xi32>,
    %get3A_110 = arith.constant 880 : index
    %get3A_111 = tpu.vector_load %arg5[%get3A_110] {strides = array<i32>} : memref<1024xi32, #tpu.memory_space<vmem>>, vector<16xi32>,
    %get3A_112 = arith.constant 896 : index
    %get3A_113 = tpu.vector_load %arg5[%get3A_112] {strides = array<i32>} : memref<1024xi32, #tpu.memory_space<vmem>>, vector<16xi32>,
    %get3A_114 = arith.constant 912 : index
    %get3A_115 = tpu.vector_load %arg5[%get3A_114] {strides = array<i32>} : memref<1024xi32, #tpu.memory_space<vmem>>, vector<16xi32>,
    %get3A_116 = arith.constant 928 : index
    %get3A_117 = tpu.vector_load %arg5[%get3A_116] {strides = array<i32>} : memref<1024xi32, #tpu.memory_space<vmem>>, vector<16xi32>,
    %get3A_118 = arith.constant 944 : index
    %get3A_119 = tpu.vector_load %arg5[%get3A_118] {strides = array<i32>} : memref<1024xi32, #tpu.memory_space<vmem>>, vector<16xi32>,
    %get3A_120 = arith.constant 960 : index
    %get3A_121 = tpu.vector_load %arg5[%get3A_120] {strides = array<i32>} : memref<1024xi32, #tpu.memory_space<vmem>>, vector<16xi32>,
    %get3A_122 = arith.constant 976 : index
    %get3A_123 = tpu.vector_load %arg5[%get3A_122] {strides = array<i32>} : memref<1024xi32, #tpu.memory_space<vmem>>, vector<16xi32>,
    %get3A_124 = arith.constant 992 : index
    %get3A_125 = tpu.vector_load %arg5[%get3A_124] {strides = array<i32>} : memref<1024xi32, #tpu.memory_space<vmem>>, vector<16xi32>,
    %get3A_126 = arith.constant 1008 : index
    %get3A_127 = tpu.vector_load %arg5[%get3A_126] {strides = array<i32>} : memref<1024xi32, #tpu.memory_space<vmem>>, vector<16xi32>,
    %mul3A_128 = arith.constant 2 : i32
    %mul3A_129 = arith.muli %add3A, %mul3A_128 : i32
    %add3A_130 = arith.constant 0 : i32
    %add3A_131 = arith.addi %mul3A_129, %add3A_130 : i32
    "tpu.region"() ({
      %run_scoped3A = tpu.sem_alloc : memref<!tpu.dma_semaphore, #tpu.memory_space<semaphore_mem>>
      %dma_start3A = arith.constant 0 : i32
      %dma_start3A_518 = tpu.memref_slice %arg2[%add3A_131, %dma_start3A] : memref<64x100000xf32, #tpu.memory_space<hbm>> -> memref<1x100000xf32, #tpu.memory_space<hbm>>
      %dma_start3A_519 = tpu.memref_squeeze %dma_start3A_518 : memref<1x100000xf32, #tpu.memory_space<hbm>> -> memref<100000xf32, #tpu.memory_space<hbm>>
      %dma_start3A_520 = arith.constant 0 : i32
      %dma_start3A_521 = tpu.memref_slice %arg2[%add3A_131, %dma_start3A_520] : memref<64x100000xf32, #tpu.memory_space<hbm>> -> memref<1x100000xf32, #tpu.memory_space<hbm>>
      %dma_start3A_522 = tpu.memref_squeeze %dma_start3A_521 : memref<1x100000xf32, #tpu.memory_space<hbm>> -> memref<100000xf32, #tpu.memory_space<hbm>>
      tpu.enqueue_dma source(%dma_start3A_522 : memref<100000xf32, #tpu.memory_space<hbm>>) target(%arg6 : memref<100000xf32, #tpu.memory_space<vmem>>) target_semaphore(%run_scoped3A : memref<!tpu.dma_semaphore, #tpu.memory_space<semaphore_mem>>)
      %dma_wait3A = arith.constant 0 : i32
      %dma_wait3A_523 = tpu.memref_slice %arg2[%add3A_131, %dma_wait3A] : memref<64x100000xf32, #tpu.memory_space<hbm>> -> memref<1x100000xf32, #tpu.memory_space<hbm>>
      %dma_wait3A_524 = tpu.memref_squeeze %dma_wait3A_523 : memref<1x100000xf32, #tpu.memory_space<hbm>> -> memref<100000xf32, #tpu.memory_space<hbm>>
      %dma_wait3A_525 = arith.constant 0 : i32
      %dma_wait3A_526 = tpu.memref_slice %arg2[%add3A_131, %dma_wait3A_525] : memref<64x100000xf32, #tpu.memory_space<hbm>> -> memref<1x100000xf32, #tpu.memory_space<hbm>>
      %dma_wait3A_527 = tpu.memref_squeeze %dma_wait3A_526 : memref<1x100000xf32, #tpu.memory_space<hbm>> -> memref<100000xf32, #tpu.memory_space<hbm>>
      tpu.wait_dma2 semaphore(%run_scoped3A : memref<!tpu.dma_semaphore, #tpu.memory_space<semaphore_mem>>) src(%dma_wait3A_527 : memref<100000xf32, #tpu.memory_space<hbm>>) dst(%arg6 : memref<100000xf32, #tpu.memory_space<vmem>>)
      tpu.yield
    }) : () -> ()
    %gather3A = tpu.vector_load_idx %arg6[%get3A_1] : memref<100000xf32, #tpu.memory_space<vmem>>[vector<16xi32>], vector<16xf32>,
    %swap3A = arith.constant 0 : index
    %swap3A_132 = tpu.vector_load %arg7[%swap3A] {strides = array<i32>} : memref<1024xf32, #tpu.memory_space<vmem>>, vector<16xf32>,
    tpu.vector_store %arg7[%swap3A], %gather3A {strides = array<i32>} : memref<1024xf32, #tpu.memory_space<vmem>>, vector<16xf32>,
    %gather3A_133 = tpu.vector_load_idx %arg6[%get3A_3] : memref<100000xf32, #tpu.memory_space<vmem>>[vector<16xi32>], vector<16xf32>,
    %swap3A_134 = arith.constant 16 : index
    %swap3A_135 = tpu.vector_load %arg7[%swap3A_134] {strides = array<i32>} : memref<1024xf32, #tpu.memory_space<vmem>>, vector<16xf32>,
    tpu.vector_store %arg7[%swap3A_134], %gather3A_133 {strides = array<i32>} : memref<1024xf32, #tpu.memory_space<vmem>>, vector<16xf32>,
    %gather3A_136 = tpu.vector_load_idx %arg6[%get3A_5] : memref<100000xf32, #tpu.memory_space<vmem>>[vector<16xi32>], vector<16xf32>,
    %swap3A_137 = arith.constant 32 : index
    %swap3A_138 = tpu.vector_load %arg7[%swap3A_137] {strides = array<i32>} : memref<1024xf32, #tpu.memory_space<vmem>>, vector<16xf32>,
    tpu.vector_store %arg7[%swap3A_137], %gather3A_136 {strides = array<i32>} : memref<1024xf32, #tpu.memory_space<vmem>>, vector<16xf32>,
    %gather3A_139 = tpu.vector_load_idx %arg6[%get3A_7] : memref<100000xf32, #tpu.memory_space<vmem>>[vector<16xi32>], vector<16xf32>,
    %swap3A_140 = arith.constant 48 : index
    %swap3A_141 = tpu.vector_load %arg7[%swap3A_140] {strides = array<i32>} : memref<1024xf32, #tpu.memory_space<vmem>>, vector<16xf32>,
    tpu.vector_store %arg7[%swap3A_140], %gather3A_139 {strides = array<i32>} : memref<1024xf32, #tpu.memory_space<vmem>>, vector<16xf32>,
    %gather3A_142 = tpu.vector_load_idx %arg6[%get3A_9] : memref<100000xf32, #tpu.memory_space<vmem>>[vector<16xi32>], vector<16xf32>,
    %swap3A_143 = arith.constant 64 : index
    %swap3A_144 = tpu.vector_load %arg7[%swap3A_143] {strides = array<i32>} : memref<1024xf32, #tpu.memory_space<vmem>>, vector<16xf32>,
    tpu.vector_store %arg7[%swap3A_143], %gather3A_142 {strides = array<i32>} : memref<1024xf32, #tpu.memory_space<vmem>>, vector<16xf32>,
    %gather3A_145 = tpu.vector_load_idx %arg6[%get3A_11] : memref<100000xf32, #tpu.memory_space<vmem>>[vector<16xi32>], vector<16xf32>,
    %swap3A_146 = arith.constant 80 : index
    %swap3A_147 = tpu.vector_load %arg7[%swap3A_146] {strides = array<i32>} : memref<1024xf32, #tpu.memory_space<vmem>>, vector<16xf32>,
    tpu.vector_store %arg7[%swap3A_146], %gather3A_145 {strides = array<i32>} : memref<1024xf32, #tpu.memory_space<vmem>>, vector<16xf32>,
    %gather3A_148 = tpu.vector_load_idx %arg6[%get3A_13] : memref<100000xf32, #tpu.memory_space<vmem>>[vector<16xi32>], vector<16xf32>,
    %swap3A_149 = arith.constant 96 : index
    %swap3A_150 = tpu.vector_load %arg7[%swap3A_149] {strides = array<i32>} : memref<1024xf32, #tpu.memory_space<vmem>>, vector<16xf32>,
    tpu.vector_store %arg7[%swap3A_149], %gather3A_148 {strides = array<i32>} : memref<1024xf32, #tpu.memory_space<vmem>>, vector<16xf32>,
    %gather3A_151 = tpu.vector_load_idx %arg6[%get3A_15] : memref<100000xf32, #tpu.memory_space<vmem>>[vector<16xi32>], vector<16xf32>,
    %swap3A_152 = arith.constant 112 : index
    %swap3A_153 = tpu.vector_load %arg7[%swap3A_152] {strides = array<i32>} : memref<1024xf32, #tpu.memory_space<vmem>>, vector<16xf32>,
    tpu.vector_store %arg7[%swap3A_152], %gather3A_151 {strides = array<i32>} : memref<1024xf32, #tpu.memory_space<vmem>>, vector<16xf32>,
    %gather3A_154 = tpu.vector_load_idx %arg6[%get3A_17] : memref<100000xf32, #tpu.memory_space<vmem>>[vector<16xi32>], vector<16xf32>,
    %swap3A_155 = arith.constant 128 : index
    %swap3A_156 = tpu.vector_load %arg7[%swap3A_155] {strides = array<i32>} : memref<1024xf32, #tpu.memory_space<vmem>>, vector<16xf32>,
    tpu.vector_store %arg7[%swap3A_155], %gather3A_154 {strides = array<i32>} : memref<1024xf32, #tpu.memory_space<vmem>>, vector<16xf32>,
    %gather3A_157 = tpu.vector_load_idx %arg6[%get3A_19] : memref<100000xf32, #tpu.memory_space<vmem>>[vector<16xi32>], vector<16xf32>,
    %swap3A_158 = arith.constant 144 : index
    %swap3A_159 = tpu.vector_load %arg7[%swap3A_158] {strides = array<i32>} : memref<1024xf32, #tpu.memory_space<vmem>>, vector<16xf32>,
    tpu.vector_store %arg7[%swap3A_158], %gather3A_157 {strides = array<i32>} : memref<1024xf32, #tpu.memory_space<vmem>>, vector<16xf32>,
    %gather3A_160 = tpu.vector_load_idx %arg6[%get3A_21] : memref<100000xf32, #tpu.memory_space<vmem>>[vector<16xi32>], vector<16xf32>,
    %swap3A_161 = arith.constant 160 : index
    %swap3A_162 = tpu.vector_load %arg7[%swap3A_161] {strides = array<i32>} : memref<1024xf32, #tpu.memory_space<vmem>>, vector<16xf32>,
    tpu.vector_store %arg7[%swap3A_161], %gather3A_160 {strides = array<i32>} : memref<1024xf32, #tpu.memory_space<vmem>>, vector<16xf32>,
    %gather3A_163 = tpu.vector_load_idx %arg6[%get3A_23] : memref<100000xf32, #tpu.memory_space<vmem>>[vector<16xi32>], vector<16xf32>,
    %swap3A_164 = arith.constant 176 : index
    %swap3A_165 = tpu.vector_load %arg7[%swap3A_164] {strides = array<i32>} : memref<1024xf32, #tpu.memory_space<vmem>>, vector<16xf32>,
    tpu.vector_store %arg7[%swap3A_164], %gather3A_163 {strides = array<i32>} : memref<1024xf32, #tpu.memory_space<vmem>>, vector<16xf32>,
    %gather3A_166 = tpu.vector_load_idx %arg6[%get3A_25] : memref<100000xf32, #tpu.memory_space<vmem>>[vector<16xi32>], vector<16xf32>,
    %swap3A_167 = arith.constant 192 : index
    %swap3A_168 = tpu.vector_load %arg7[%swap3A_167] {strides = array<i32>} : memref<1024xf32, #tpu.memory_space<vmem>>, vector<16xf32>,
    tpu.vector_store %arg7[%swap3A_167], %gather3A_166 {strides = array<i32>} : memref<1024xf32, #tpu.memory_space<vmem>>, vector<16xf32>,
    %gather3A_169 = tpu.vector_load_idx %arg6[%get3A_27] : memref<100000xf32, #tpu.memory_space<vmem>>[vector<16xi32>], vector<16xf32>,
    %swap3A_170 = arith.constant 208 : index
    %swap3A_171 = tpu.vector_load %arg7[%swap3A_170] {strides = array<i32>} : memref<1024xf32, #tpu.memory_space<vmem>>, vector<16xf32>,
    tpu.vector_store %arg7[%swap3A_170], %gather3A_169 {strides = array<i32>} : memref<1024xf32, #tpu.memory_space<vmem>>, vector<16xf32>,
    %gather3A_172 = tpu.vector_load_idx %arg6[%get3A_29] : memref<100000xf32, #tpu.memory_space<vmem>>[vector<16xi32>], vector<16xf32>,
    %swap3A_173 = arith.constant 224 : index
    %swap3A_174 = tpu.vector_load %arg7[%swap3A_173] {strides = array<i32>} : memref<1024xf32, #tpu.memory_space<vmem>>, vector<16xf32>,
    tpu.vector_store %arg7[%swap3A_173], %gather3A_172 {strides = array<i32>} : memref<1024xf32, #tpu.memory_space<vmem>>, vector<16xf32>,
    %gather3A_175 = tpu.vector_load_idx %arg6[%get3A_31] : memref<100000xf32, #tpu.memory_space<vmem>>[vector<16xi32>], vector<16xf32>,
    %swap3A_176 = arith.constant 240 : index
    %swap3A_177 = tpu.vector_load %arg7[%swap3A_176] {strides = array<i32>} : memref<1024xf32, #tpu.memory_space<vmem>>, vector<16xf32>,
    tpu.vector_store %arg7[%swap3A_176], %gather3A_175 {strides = array<i32>} : memref<1024xf32, #tpu.memory_space<vmem>>, vector<16xf32>,
    %gather3A_178 = tpu.vector_load_idx %arg6[%get3A_33] : memref<100000xf32, #tpu.memory_space<vmem>>[vector<16xi32>], vector<16xf32>,
    %swap3A_179 = arith.constant 256 : index
    %swap3A_180 = tpu.vector_load %arg7[%swap3A_179] {strides = array<i32>} : memref<1024xf32, #tpu.memory_space<vmem>>, vector<16xf32>,
    tpu.vector_store %arg7[%swap3A_179], %gather3A_178 {strides = array<i32>} : memref<1024xf32, #tpu.memory_space<vmem>>, vector<16xf32>,
    %gather3A_181 = tpu.vector_load_idx %arg6[%get3A_35] : memref<100000xf32, #tpu.memory_space<vmem>>[vector<16xi32>], vector<16xf32>,
    %swap3A_182 = arith.constant 272 : index
    %swap3A_183 = tpu.vector_load %arg7[%swap3A_182] {strides = array<i32>} : memref<1024xf32, #tpu.memory_space<vmem>>, vector<16xf32>,
    tpu.vector_store %arg7[%swap3A_182], %gather3A_181 {strides = array<i32>} : memref<1024xf32, #tpu.memory_space<vmem>>, vector<16xf32>,
    %gather3A_184 = tpu.vector_load_idx %arg6[%get3A_37] : memref<100000xf32, #tpu.memory_space<vmem>>[vector<16xi32>], vector<16xf32>,
    %swap3A_185 = arith.constant 288 : index
    %swap3A_186 = tpu.vector_load %arg7[%swap3A_185] {strides = array<i32>} : memref<1024xf32, #tpu.memory_space<vmem>>, vector<16xf32>,
    tpu.vector_store %arg7[%swap3A_185], %gather3A_184 {strides = array<i32>} : memref<1024xf32, #tpu.memory_space<vmem>>, vector<16xf32>,
    %gather3A_187 = tpu.vector_load_idx %arg6[%get3A_39] : memref<100000xf32, #tpu.memory_space<vmem>>[vector<16xi32>], vector<16xf32>,
    %swap3A_188 = arith.constant 304 : index
    %swap3A_189 = tpu.vector_load %arg7[%swap3A_188] {strides = array<i32>} : memref<1024xf32, #tpu.memory_space<vmem>>, vector<16xf32>,
    tpu.vector_store %arg7[%swap3A_188], %gather3A_187 {strides = array<i32>} : memref<1024xf32, #tpu.memory_space<vmem>>, vector<16xf32>,
    %gather3A_190 = tpu.vector_load_idx %arg6[%get3A_41] : memref<100000xf32, #tpu.memory_space<vmem>>[vector<16xi32>], vector<16xf32>,
    %swap3A_191 = arith.constant 320 : index
    %swap3A_192 = tpu.vector_load %arg7[%swap3A_191] {strides = array<i32>} : memref<1024xf32, #tpu.memory_space<vmem>>, vector<16xf32>,
    tpu.vector_store %arg7[%swap3A_191], %gather3A_190 {strides = array<i32>} : memref<1024xf32, #tpu.memory_space<vmem>>, vector<16xf32>,
    %gather3A_193 = tpu.vector_load_idx %arg6[%get3A_43] : memref<100000xf32, #tpu.memory_space<vmem>>[vector<16xi32>], vector<16xf32>,
    %swap3A_194 = arith.constant 336 : index
    %swap3A_195 = tpu.vector_load %arg7[%swap3A_194] {strides = array<i32>} : memref<1024xf32, #tpu.memory_space<vmem>>, vector<16xf32>,
    tpu.vector_store %arg7[%swap3A_194], %gather3A_193 {strides = array<i32>} : memref<1024xf32, #tpu.memory_space<vmem>>, vector<16xf32>,
    %gather3A_196 = tpu.vector_load_idx %arg6[%get3A_45] : memref<100000xf32, #tpu.memory_space<vmem>>[vector<16xi32>], vector<16xf32>,
    %swap3A_197 = arith.constant 352 : index
    %swap3A_198 = tpu.vector_load %arg7[%swap3A_197] {strides = array<i32>} : memref<1024xf32, #tpu.memory_space<vmem>>, vector<16xf32>,
    tpu.vector_store %arg7[%swap3A_197], %gather3A_196 {strides = array<i32>} : memref<1024xf32, #tpu.memory_space<vmem>>, vector<16xf32>,
    %gather3A_199 = tpu.vector_load_idx %arg6[%get3A_47] : memref<100000xf32, #tpu.memory_space<vmem>>[vector<16xi32>], vector<16xf32>,
    %swap3A_200 = arith.constant 368 : index
    %swap3A_201 = tpu.vector_load %arg7[%swap3A_200] {strides = array<i32>} : memref<1024xf32, #tpu.memory_space<vmem>>, vector<16xf32>,
    tpu.vector_store %arg7[%swap3A_200], %gather3A_199 {strides = array<i32>} : memref<1024xf32, #tpu.memory_space<vmem>>, vector<16xf32>,
    %gather3A_202 = tpu.vector_load_idx %arg6[%get3A_49] : memref<100000xf32, #tpu.memory_space<vmem>>[vector<16xi32>], vector<16xf32>,
    %swap3A_203 = arith.constant 384 : index
    %swap3A_204 = tpu.vector_load %arg7[%swap3A_203] {strides = array<i32>} : memref<1024xf32, #tpu.memory_space<vmem>>, vector<16xf32>,
    tpu.vector_store %arg7[%swap3A_203], %gather3A_202 {strides = array<i32>} : memref<1024xf32, #tpu.memory_space<vmem>>, vector<16xf32>,
    %gather3A_205 = tpu.vector_load_idx %arg6[%get3A_51] : memref<100000xf32, #tpu.memory_space<vmem>>[vector<16xi32>], vector<16xf32>,
    %swap3A_206 = arith.constant 400 : index
    %swap3A_207 = tpu.vector_load %arg7[%swap3A_206] {strides = array<i32>} : memref<1024xf32, #tpu.memory_space<vmem>>, vector<16xf32>,
    tpu.vector_store %arg7[%swap3A_206], %gather3A_205 {strides = array<i32>} : memref<1024xf32, #tpu.memory_space<vmem>>, vector<16xf32>,
    %gather3A_208 = tpu.vector_load_idx %arg6[%get3A_53] : memref<100000xf32, #tpu.memory_space<vmem>>[vector<16xi32>], vector<16xf32>,
    %swap3A_209 = arith.constant 416 : index
    %swap3A_210 = tpu.vector_load %arg7[%swap3A_209] {strides = array<i32>} : memref<1024xf32, #tpu.memory_space<vmem>>, vector<16xf32>,
    tpu.vector_store %arg7[%swap3A_209], %gather3A_208 {strides = array<i32>} : memref<1024xf32, #tpu.memory_space<vmem>>, vector<16xf32>,
    %gather3A_211 = tpu.vector_load_idx %arg6[%get3A_55] : memref<100000xf32, #tpu.memory_space<vmem>>[vector<16xi32>], vector<16xf32>,
    %swap3A_212 = arith.constant 432 : index
    %swap3A_213 = tpu.vector_load %arg7[%swap3A_212] {strides = array<i32>} : memref<1024xf32, #tpu.memory_space<vmem>>, vector<16xf32>,
    tpu.vector_store %arg7[%swap3A_212], %gather3A_211 {strides = array<i32>} : memref<1024xf32, #tpu.memory_space<vmem>>, vector<16xf32>,
    %gather3A_214 = tpu.vector_load_idx %arg6[%get3A_57] : memref<100000xf32, #tpu.memory_space<vmem>>[vector<16xi32>], vector<16xf32>,
    %swap3A_215 = arith.constant 448 : index
    %swap3A_216 = tpu.vector_load %arg7[%swap3A_215] {strides = array<i32>} : memref<1024xf32, #tpu.memory_space<vmem>>, vector<16xf32>,
    tpu.vector_store %arg7[%swap3A_215], %gather3A_214 {strides = array<i32>} : memref<1024xf32, #tpu.memory_space<vmem>>, vector<16xf32>,
    %gather3A_217 = tpu.vector_load_idx %arg6[%get3A_59] : memref<100000xf32, #tpu.memory_space<vmem>>[vector<16xi32>], vector<16xf32>,
    %swap3A_218 = arith.constant 464 : index
    %swap3A_219 = tpu.vector_load %arg7[%swap3A_218] {strides = array<i32>} : memref<1024xf32, #tpu.memory_space<vmem>>, vector<16xf32>,
    tpu.vector_store %arg7[%swap3A_218], %gather3A_217 {strides = array<i32>} : memref<1024xf32, #tpu.memory_space<vmem>>, vector<16xf32>,
    %gather3A_220 = tpu.vector_load_idx %arg6[%get3A_61] : memref<100000xf32, #tpu.memory_space<vmem>>[vector<16xi32>], vector<16xf32>,
    %swap3A_221 = arith.constant 480 : index
    %swap3A_222 = tpu.vector_load %arg7[%swap3A_221] {strides = array<i32>} : memref<1024xf32, #tpu.memory_space<vmem>>, vector<16xf32>,
    tpu.vector_store %arg7[%swap3A_221], %gather3A_220 {strides = array<i32>} : memref<1024xf32, #tpu.memory_space<vmem>>, vector<16xf32>,
    %gather3A_223 = tpu.vector_load_idx %arg6[%get3A_63] : memref<100000xf32, #tpu.memory_space<vmem>>[vector<16xi32>], vector<16xf32>,
    %swap3A_224 = arith.constant 496 : index
    %swap3A_225 = tpu.vector_load %arg7[%swap3A_224] {strides = array<i32>} : memref<1024xf32, #tpu.memory_space<vmem>>, vector<16xf32>,
    tpu.vector_store %arg7[%swap3A_224], %gather3A_223 {strides = array<i32>} : memref<1024xf32, #tpu.memory_space<vmem>>, vector<16xf32>,
    %gather3A_226 = tpu.vector_load_idx %arg6[%get3A_65] : memref<100000xf32, #tpu.memory_space<vmem>>[vector<16xi32>], vector<16xf32>,
    %swap3A_227 = arith.constant 512 : index
    %swap3A_228 = tpu.vector_load %arg7[%swap3A_227] {strides = array<i32>} : memref<1024xf32, #tpu.memory_space<vmem>>, vector<16xf32>,
    tpu.vector_store %arg7[%swap3A_227], %gather3A_226 {strides = array<i32>} : memref<1024xf32, #tpu.memory_space<vmem>>, vector<16xf32>,
    %gather3A_229 = tpu.vector_load_idx %arg6[%get3A_67] : memref<100000xf32, #tpu.memory_space<vmem>>[vector<16xi32>], vector<16xf32>,
    %swap3A_230 = arith.constant 528 : index
    %swap3A_231 = tpu.vector_load %arg7[%swap3A_230] {strides = array<i32>} : memref<1024xf32, #tpu.memory_space<vmem>>, vector<16xf32>,
    tpu.vector_store %arg7[%swap3A_230], %gather3A_229 {strides = array<i32>} : memref<1024xf32, #tpu.memory_space<vmem>>, vector<16xf32>,
    %gather3A_232 = tpu.vector_load_idx %arg6[%get3A_69] : memref<100000xf32, #tpu.memory_space<vmem>>[vector<16xi32>], vector<16xf32>,
    %swap3A_233 = arith.constant 544 : index
    %swap3A_234 = tpu.vector_load %arg7[%swap3A_233] {strides = array<i32>} : memref<1024xf32, #tpu.memory_space<vmem>>, vector<16xf32>,
    tpu.vector_store %arg7[%swap3A_233], %gather3A_232 {strides = array<i32>} : memref<1024xf32, #tpu.memory_space<vmem>>, vector<16xf32>,
    %gather3A_235 = tpu.vector_load_idx %arg6[%get3A_71] : memref<100000xf32, #tpu.memory_space<vmem>>[vector<16xi32>], vector<16xf32>,
    %swap3A_236 = arith.constant 560 : index
    %swap3A_237 = tpu.vector_load %arg7[%swap3A_236] {strides = array<i32>} : memref<1024xf32, #tpu.memory_space<vmem>>, vector<16xf32>,
    tpu.vector_store %arg7[%swap3A_236], %gather3A_235 {strides = array<i32>} : memref<1024xf32, #tpu.memory_space<vmem>>, vector<16xf32>,
    %gather3A_238 = tpu.vector_load_idx %arg6[%get3A_73] : memref<100000xf32, #tpu.memory_space<vmem>>[vector<16xi32>], vector<16xf32>,
    %swap3A_239 = arith.constant 576 : index
    %swap3A_240 = tpu.vector_load %arg7[%swap3A_239] {strides = array<i32>} : memref<1024xf32, #tpu.memory_space<vmem>>, vector<16xf32>,
    tpu.vector_store %arg7[%swap3A_239], %gather3A_238 {strides = array<i32>} : memref<1024xf32, #tpu.memory_space<vmem>>, vector<16xf32>,
    %gather3A_241 = tpu.vector_load_idx %arg6[%get3A_75] : memref<100000xf32, #tpu.memory_space<vmem>>[vector<16xi32>], vector<16xf32>,
    %swap3A_242 = arith.constant 592 : index
    %swap3A_243 = tpu.vector_load %arg7[%swap3A_242] {strides = array<i32>} : memref<1024xf32, #tpu.memory_space<vmem>>, vector<16xf32>,
    tpu.vector_store %arg7[%swap3A_242], %gather3A_241 {strides = array<i32>} : memref<1024xf32, #tpu.memory_space<vmem>>, vector<16xf32>,
    %gather3A_244 = tpu.vector_load_idx %arg6[%get3A_77] : memref<100000xf32, #tpu.memory_space<vmem>>[vector<16xi32>], vector<16xf32>,
    %swap3A_245 = arith.constant 608 : index
    %swap3A_246 = tpu.vector_load %arg7[%swap3A_245] {strides = array<i32>} : memref<1024xf32, #tpu.memory_space<vmem>>, vector<16xf32>,
    tpu.vector_store %arg7[%swap3A_245], %gather3A_244 {strides = array<i32>} : memref<1024xf32, #tpu.memory_space<vmem>>, vector<16xf32>,
    %gather3A_247 = tpu.vector_load_idx %arg6[%get3A_79] : memref<100000xf32, #tpu.memory_space<vmem>>[vector<16xi32>], vector<16xf32>,
    %swap3A_248 = arith.constant 624 : index
    %swap3A_249 = tpu.vector_load %arg7[%swap3A_248] {strides = array<i32>} : memref<1024xf32, #tpu.memory_space<vmem>>, vector<16xf32>,
    tpu.vector_store %arg7[%swap3A_248], %gather3A_247 {strides = array<i32>} : memref<1024xf32, #tpu.memory_space<vmem>>, vector<16xf32>,
    %gather3A_250 = tpu.vector_load_idx %arg6[%get3A_81] : memref<100000xf32, #tpu.memory_space<vmem>>[vector<16xi32>], vector<16xf32>,
    %swap3A_251 = arith.constant 640 : index
    %swap3A_252 = tpu.vector_load %arg7[%swap3A_251] {strides = array<i32>} : memref<1024xf32, #tpu.memory_space<vmem>>, vector<16xf32>,
    tpu.vector_store %arg7[%swap3A_251], %gather3A_250 {strides = array<i32>} : memref<1024xf32, #tpu.memory_space<vmem>>, vector<16xf32>,
    %gather3A_253 = tpu.vector_load_idx %arg6[%get3A_83] : memref<100000xf32, #tpu.memory_space<vmem>>[vector<16xi32>], vector<16xf32>,
    %swap3A_254 = arith.constant 656 : index
    %swap3A_255 = tpu.vector_load %arg7[%swap3A_254] {strides = array<i32>} : memref<1024xf32, #tpu.memory_space<vmem>>, vector<16xf32>,
    tpu.vector_store %arg7[%swap3A_254], %gather3A_253 {strides = array<i32>} : memref<1024xf32, #tpu.memory_space<vmem>>, vector<16xf32>,
    %gather3A_256 = tpu.vector_load_idx %arg6[%get3A_85] : memref<100000xf32, #tpu.memory_space<vmem>>[vector<16xi32>], vector<16xf32>,
    %swap3A_257 = arith.constant 672 : index
    %swap3A_258 = tpu.vector_load %arg7[%swap3A_257] {strides = array<i32>} : memref<1024xf32, #tpu.memory_space<vmem>>, vector<16xf32>,
    tpu.vector_store %arg7[%swap3A_257], %gather3A_256 {strides = array<i32>} : memref<1024xf32, #tpu.memory_space<vmem>>, vector<16xf32>,
    %gather3A_259 = tpu.vector_load_idx %arg6[%get3A_87] : memref<100000xf32, #tpu.memory_space<vmem>>[vector<16xi32>], vector<16xf32>,
    %swap3A_260 = arith.constant 688 : index
    %swap3A_261 = tpu.vector_load %arg7[%swap3A_260] {strides = array<i32>} : memref<1024xf32, #tpu.memory_space<vmem>>, vector<16xf32>,
    tpu.vector_store %arg7[%swap3A_260], %gather3A_259 {strides = array<i32>} : memref<1024xf32, #tpu.memory_space<vmem>>, vector<16xf32>,
    %gather3A_262 = tpu.vector_load_idx %arg6[%get3A_89] : memref<100000xf32, #tpu.memory_space<vmem>>[vector<16xi32>], vector<16xf32>,
    %swap3A_263 = arith.constant 704 : index
    %swap3A_264 = tpu.vector_load %arg7[%swap3A_263] {strides = array<i32>} : memref<1024xf32, #tpu.memory_space<vmem>>, vector<16xf32>,
    tpu.vector_store %arg7[%swap3A_263], %gather3A_262 {strides = array<i32>} : memref<1024xf32, #tpu.memory_space<vmem>>, vector<16xf32>,
    %gather3A_265 = tpu.vector_load_idx %arg6[%get3A_91] : memref<100000xf32, #tpu.memory_space<vmem>>[vector<16xi32>], vector<16xf32>,
    %swap3A_266 = arith.constant 720 : index
    %swap3A_267 = tpu.vector_load %arg7[%swap3A_266] {strides = array<i32>} : memref<1024xf32, #tpu.memory_space<vmem>>, vector<16xf32>,
    tpu.vector_store %arg7[%swap3A_266], %gather3A_265 {strides = array<i32>} : memref<1024xf32, #tpu.memory_space<vmem>>, vector<16xf32>,
    %gather3A_268 = tpu.vector_load_idx %arg6[%get3A_93] : memref<100000xf32, #tpu.memory_space<vmem>>[vector<16xi32>], vector<16xf32>,
    %swap3A_269 = arith.constant 736 : index
    %swap3A_270 = tpu.vector_load %arg7[%swap3A_269] {strides = array<i32>} : memref<1024xf32, #tpu.memory_space<vmem>>, vector<16xf32>,
    tpu.vector_store %arg7[%swap3A_269], %gather3A_268 {strides = array<i32>} : memref<1024xf32, #tpu.memory_space<vmem>>, vector<16xf32>,
    %gather3A_271 = tpu.vector_load_idx %arg6[%get3A_95] : memref<100000xf32, #tpu.memory_space<vmem>>[vector<16xi32>], vector<16xf32>,
    %swap3A_272 = arith.constant 752 : index
    %swap3A_273 = tpu.vector_load %arg7[%swap3A_272] {strides = array<i32>} : memref<1024xf32, #tpu.memory_space<vmem>>, vector<16xf32>,
    tpu.vector_store %arg7[%swap3A_272], %gather3A_271 {strides = array<i32>} : memref<1024xf32, #tpu.memory_space<vmem>>, vector<16xf32>,
    %gather3A_274 = tpu.vector_load_idx %arg6[%get3A_97] : memref<100000xf32, #tpu.memory_space<vmem>>[vector<16xi32>], vector<16xf32>,
    %swap3A_275 = arith.constant 768 : index
    %swap3A_276 = tpu.vector_load %arg7[%swap3A_275] {strides = array<i32>} : memref<1024xf32, #tpu.memory_space<vmem>>, vector<16xf32>,
    tpu.vector_store %arg7[%swap3A_275], %gather3A_274 {strides = array<i32>} : memref<1024xf32, #tpu.memory_space<vmem>>, vector<16xf32>,
    %gather3A_277 = tpu.vector_load_idx %arg6[%get3A_99] : memref<100000xf32, #tpu.memory_space<vmem>>[vector<16xi32>], vector<16xf32>,
    %swap3A_278 = arith.constant 784 : index
    %swap3A_279 = tpu.vector_load %arg7[%swap3A_278] {strides = array<i32>} : memref<1024xf32, #tpu.memory_space<vmem>>, vector<16xf32>,
    tpu.vector_store %arg7[%swap3A_278], %gather3A_277 {strides = array<i32>} : memref<1024xf32, #tpu.memory_space<vmem>>, vector<16xf32>,
    %gather3A_280 = tpu.vector_load_idx %arg6[%get3A_101] : memref<100000xf32, #tpu.memory_space<vmem>>[vector<16xi32>], vector<16xf32>,
    %swap3A_281 = arith.constant 800 : index
    %swap3A_282 = tpu.vector_load %arg7[%swap3A_281] {strides = array<i32>} : memref<1024xf32, #tpu.memory_space<vmem>>, vector<16xf32>,
    tpu.vector_store %arg7[%swap3A_281], %gather3A_280 {strides = array<i32>} : memref<1024xf32, #tpu.memory_space<vmem>>, vector<16xf32>,
    %gather3A_283 = tpu.vector_load_idx %arg6[%get3A_103] : memref<100000xf32, #tpu.memory_space<vmem>>[vector<16xi32>], vector<16xf32>,
    %swap3A_284 = arith.constant 816 : index
    %swap3A_285 = tpu.vector_load %arg7[%swap3A_284] {strides = array<i32>} : memref<1024xf32, #tpu.memory_space<vmem>>, vector<16xf32>,
    tpu.vector_store %arg7[%swap3A_284], %gather3A_283 {strides = array<i32>} : memref<1024xf32, #tpu.memory_space<vmem>>, vector<16xf32>,
    %gather3A_286 = tpu.vector_load_idx %arg6[%get3A_105] : memref<100000xf32, #tpu.memory_space<vmem>>[vector<16xi32>], vector<16xf32>,
    %swap3A_287 = arith.constant 832 : index
    %swap3A_288 = tpu.vector_load %arg7[%swap3A_287] {strides = array<i32>} : memref<1024xf32, #tpu.memory_space<vmem>>, vector<16xf32>,
    tpu.vector_store %arg7[%swap3A_287], %gather3A_286 {strides = array<i32>} : memref<1024xf32, #tpu.memory_space<vmem>>, vector<16xf32>,
    %gather3A_289 = tpu.vector_load_idx %arg6[%get3A_107] : memref<100000xf32, #tpu.memory_space<vmem>>[vector<16xi32>], vector<16xf32>,
    %swap3A_290 = arith.constant 848 : index
    %swap3A_291 = tpu.vector_load %arg7[%swap3A_290] {strides = array<i32>} : memref<1024xf32, #tpu.memory_space<vmem>>, vector<16xf32>,
    tpu.vector_store %arg7[%swap3A_290], %gather3A_289 {strides = array<i32>} : memref<1024xf32, #tpu.memory_space<vmem>>, vector<16xf32>,
    %gather3A_292 = tpu.vector_load_idx %arg6[%get3A_109] : memref<100000xf32, #tpu.memory_space<vmem>>[vector<16xi32>], vector<16xf32>,
    %swap3A_293 = arith.constant 864 : index
    %swap3A_294 = tpu.vector_load %arg7[%swap3A_293] {strides = array<i32>} : memref<1024xf32, #tpu.memory_space<vmem>>, vector<16xf32>,
    tpu.vector_store %arg7[%swap3A_293], %gather3A_292 {strides = array<i32>} : memref<1024xf32, #tpu.memory_space<vmem>>, vector<16xf32>,
    %gather3A_295 = tpu.vector_load_idx %arg6[%get3A_111] : memref<100000xf32, #tpu.memory_space<vmem>>[vector<16xi32>], vector<16xf32>,
    %swap3A_296 = arith.constant 880 : index
    %swap3A_297 = tpu.vector_load %arg7[%swap3A_296] {strides = array<i32>} : memref<1024xf32, #tpu.memory_space<vmem>>, vector<16xf32>,
    tpu.vector_store %arg7[%swap3A_296], %gather3A_295 {strides = array<i32>} : memref<1024xf32, #tpu.memory_space<vmem>>, vector<16xf32>,
    %gather3A_298 = tpu.vector_load_idx %arg6[%get3A_113] : memref<100000xf32, #tpu.memory_space<vmem>>[vector<16xi32>], vector<16xf32>,
    %swap3A_299 = arith.constant 896 : index
    %swap3A_300 = tpu.vector_load %arg7[%swap3A_299] {strides = array<i32>} : memref<1024xf32, #tpu.memory_space<vmem>>, vector<16xf32>,
    tpu.vector_store %arg7[%swap3A_299], %gather3A_298 {strides = array<i32>} : memref<1024xf32, #tpu.memory_space<vmem>>, vector<16xf32>,
    %gather3A_301 = tpu.vector_load_idx %arg6[%get3A_115] : memref<100000xf32, #tpu.memory_space<vmem>>[vector<16xi32>], vector<16xf32>,
    %swap3A_302 = arith.constant 912 : index
    %swap3A_303 = tpu.vector_load %arg7[%swap3A_302] {strides = array<i32>} : memref<1024xf32, #tpu.memory_space<vmem>>, vector<16xf32>,
    tpu.vector_store %arg7[%swap3A_302], %gather3A_301 {strides = array<i32>} : memref<1024xf32, #tpu.memory_space<vmem>>, vector<16xf32>,
    %gather3A_304 = tpu.vector_load_idx %arg6[%get3A_117] : memref<100000xf32, #tpu.memory_space<vmem>>[vector<16xi32>], vector<16xf32>,
    %swap3A_305 = arith.constant 928 : index
    %swap3A_306 = tpu.vector_load %arg7[%swap3A_305] {strides = array<i32>} : memref<1024xf32, #tpu.memory_space<vmem>>, vector<16xf32>,
    tpu.vector_store %arg7[%swap3A_305], %gather3A_304 {strides = array<i32>} : memref<1024xf32, #tpu.memory_space<vmem>>, vector<16xf32>,
    %gather3A_307 = tpu.vector_load_idx %arg6[%get3A_119] : memref<100000xf32, #tpu.memory_space<vmem>>[vector<16xi32>], vector<16xf32>,
    %swap3A_308 = arith.constant 944 : index
    %swap3A_309 = tpu.vector_load %arg7[%swap3A_308] {strides = array<i32>} : memref<1024xf32, #tpu.memory_space<vmem>>, vector<16xf32>,
    tpu.vector_store %arg7[%swap3A_308], %gather3A_307 {strides = array<i32>} : memref<1024xf32, #tpu.memory_space<vmem>>, vector<16xf32>,
    %gather3A_310 = tpu.vector_load_idx %arg6[%get3A_121] : memref<100000xf32, #tpu.memory_space<vmem>>[vector<16xi32>], vector<16xf32>,
    %swap3A_311 = arith.constant 960 : index
    %swap3A_312 = tpu.vector_load %arg7[%swap3A_311] {strides = array<i32>} : memref<1024xf32, #tpu.memory_space<vmem>>, vector<16xf32>,
    tpu.vector_store %arg7[%swap3A_311], %gather3A_310 {strides = array<i32>} : memref<1024xf32, #tpu.memory_space<vmem>>, vector<16xf32>,
    %gather3A_313 = tpu.vector_load_idx %arg6[%get3A_123] : memref<100000xf32, #tpu.memory_space<vmem>>[vector<16xi32>], vector<16xf32>,
    %swap3A_314 = arith.constant 976 : index
    %swap3A_315 = tpu.vector_load %arg7[%swap3A_314] {strides = array<i32>} : memref<1024xf32, #tpu.memory_space<vmem>>, vector<16xf32>,
    tpu.vector_store %arg7[%swap3A_314], %gather3A_313 {strides = array<i32>} : memref<1024xf32, #tpu.memory_space<vmem>>, vector<16xf32>,
    %gather3A_316 = tpu.vector_load_idx %arg6[%get3A_125] : memref<100000xf32, #tpu.memory_space<vmem>>[vector<16xi32>], vector<16xf32>,
    %swap3A_317 = arith.constant 992 : index
    %swap3A_318 = tpu.vector_load %arg7[%swap3A_317] {strides = array<i32>} : memref<1024xf32, #tpu.memory_space<vmem>>, vector<16xf32>,
    tpu.vector_store %arg7[%swap3A_317], %gather3A_316 {strides = array<i32>} : memref<1024xf32, #tpu.memory_space<vmem>>, vector<16xf32>,
    %gather3A_319 = tpu.vector_load_idx %arg6[%get3A_127] : memref<100000xf32, #tpu.memory_space<vmem>>[vector<16xi32>], vector<16xf32>,
    %swap3A_320 = arith.constant 1008 : index
    %swap3A_321 = tpu.vector_load %arg7[%swap3A_320] {strides = array<i32>} : memref<1024xf32, #tpu.memory_space<vmem>>, vector<16xf32>,
    tpu.vector_store %arg7[%swap3A_320], %gather3A_319 {strides = array<i32>} : memref<1024xf32, #tpu.memory_space<vmem>>, vector<16xf32>,
    "tpu.region"() ({
      %run_scoped3A = tpu.sem_alloc : memref<!tpu.dma_semaphore, #tpu.memory_space<semaphore_mem>>
      %dma_start3A = arith.constant 0 : i32
      %dma_start3A_518 = tpu.memref_slice %arg4[%add3A_131, %dma_start3A] : memref<64x1024xf32, #tpu.memory_space<hbm>> -> memref<1x1024xf32, #tpu.memory_space<hbm>>
      %dma_start3A_519 = tpu.memref_squeeze %dma_start3A_518 : memref<1x1024xf32, #tpu.memory_space<hbm>> -> memref<1024xf32, #tpu.memory_space<hbm>>
      %dma_start3A_520 = arith.constant 0 : i32
      %dma_start3A_521 = tpu.memref_slice %arg4[%add3A_131, %dma_start3A_520] : memref<64x1024xf32, #tpu.memory_space<hbm>> -> memref<1x1024xf32, #tpu.memory_space<hbm>>
      %dma_start3A_522 = tpu.memref_squeeze %dma_start3A_521 : memref<1x1024xf32, #tpu.memory_space<hbm>> -> memref<1024xf32, #tpu.memory_space<hbm>>
      tpu.enqueue_dma source(%arg7 : memref<1024xf32, #tpu.memory_space<vmem>>) target(%dma_start3A_522 : memref<1024xf32, #tpu.memory_space<hbm>>) target_semaphore(%run_scoped3A : memref<!tpu.dma_semaphore, #tpu.memory_space<semaphore_mem>>)
      %dma_wait3A = arith.constant 0 : i32
      %dma_wait3A_523 = tpu.memref_slice %arg4[%add3A_131, %dma_wait3A] : memref<64x1024xf32, #tpu.memory_space<hbm>> -> memref<1x1024xf32, #tpu.memory_space<hbm>>
      %dma_wait3A_524 = tpu.memref_squeeze %dma_wait3A_523 : memref<1x1024xf32, #tpu.memory_space<hbm>> -> memref<1024xf32, #tpu.memory_space<hbm>>
      %dma_wait3A_525 = arith.constant 0 : i32
      %dma_wait3A_526 = tpu.memref_slice %arg4[%add3A_131, %dma_wait3A_525] : memref<64x1024xf32, #tpu.memory_space<hbm>> -> memref<1x1024xf32, #tpu.memory_space<hbm>>
      %dma_wait3A_527 = tpu.memref_squeeze %dma_wait3A_526 : memref<1x1024xf32, #tpu.memory_space<hbm>> -> memref<1024xf32, #tpu.memory_space<hbm>>
      tpu.wait_dma2 semaphore(%run_scoped3A : memref<!tpu.dma_semaphore, #tpu.memory_space<semaphore_mem>>) src(%arg7 : memref<1024xf32, #tpu.memory_space<vmem>>) dst(%dma_wait3A_527 : memref<1024xf32, #tpu.memory_space<hbm>>)
      tpu.yield
    }) : () -> ()
    %mul3A_322 = arith.constant 2 : i32
    %mul3A_323 = arith.muli %add3A, %mul3A_322 : i32
    %add3A_324 = arith.constant 1 : i32
    %add3A_325 = arith.addi %mul3A_323, %add3A_324 : i32
    "tpu.region"() ({
      %run_scoped3A = tpu.sem_alloc : memref<!tpu.dma_semaphore, #tpu.memory_space<semaphore_mem>>
      %dma_start3A = arith.constant 0 : i32
      %dma_start3A_518 = tpu.memref_slice %arg2[%add3A_325, %dma_start3A] : memref<64x100000xf32, #tpu.memory_space<hbm>> -> memref<1x100000xf32, #tpu.memory_space<hbm>>
      %dma_start3A_519 = tpu.memref_squeeze %dma_start3A_518 : memref<1x100000xf32, #tpu.memory_space<hbm>> -> memref<100000xf32, #tpu.memory_space<hbm>>
      %dma_start3A_520 = arith.constant 0 : i32
      %dma_start3A_521 = tpu.memref_slice %arg2[%add3A_325, %dma_start3A_520] : memref<64x100000xf32, #tpu.memory_space<hbm>> -> memref<1x100000xf32, #tpu.memory_space<hbm>>
      %dma_start3A_522 = tpu.memref_squeeze %dma_start3A_521 : memref<1x100000xf32, #tpu.memory_space<hbm>> -> memref<100000xf32, #tpu.memory_space<hbm>>
      tpu.enqueue_dma source(%dma_start3A_522 : memref<100000xf32, #tpu.memory_space<hbm>>) target(%arg6 : memref<100000xf32, #tpu.memory_space<vmem>>) target_semaphore(%run_scoped3A : memref<!tpu.dma_semaphore, #tpu.memory_space<semaphore_mem>>)
      %dma_wait3A = arith.constant 0 : i32
      %dma_wait3A_523 = tpu.memref_slice %arg2[%add3A_325, %dma_wait3A] : memref<64x100000xf32, #tpu.memory_space<hbm>> -> memref<1x100000xf32, #tpu.memory_space<hbm>>
      %dma_wait3A_524 = tpu.memref_squeeze %dma_wait3A_523 : memref<1x100000xf32, #tpu.memory_space<hbm>> -> memref<100000xf32, #tpu.memory_space<hbm>>
      %dma_wait3A_525 = arith.constant 0 : i32
      %dma_wait3A_526 = tpu.memref_slice %arg2[%add3A_325, %dma_wait3A_525] : memref<64x100000xf32, #tpu.memory_space<hbm>> -> memref<1x100000xf32, #tpu.memory_space<hbm>>
      %dma_wait3A_527 = tpu.memref_squeeze %dma_wait3A_526 : memref<1x100000xf32, #tpu.memory_space<hbm>> -> memref<100000xf32, #tpu.memory_space<hbm>>
      tpu.wait_dma2 semaphore(%run_scoped3A : memref<!tpu.dma_semaphore, #tpu.memory_space<semaphore_mem>>) src(%dma_wait3A_527 : memref<100000xf32, #tpu.memory_space<hbm>>) dst(%arg6 : memref<100000xf32, #tpu.memory_space<vmem>>)
      tpu.yield
    }) : () -> ()
    %gather3A_326 = tpu.vector_load_idx %arg6[%get3A_1] : memref<100000xf32, #tpu.memory_space<vmem>>[vector<16xi32>], vector<16xf32>,
    %swap3A_327 = arith.constant 0 : index
    %swap3A_328 = tpu.vector_load %arg7[%swap3A_327] {strides = array<i32>} : memref<1024xf32, #tpu.memory_space<vmem>>, vector<16xf32>,
    tpu.vector_store %arg7[%swap3A_327], %gather3A_326 {strides = array<i32>} : memref<1024xf32, #tpu.memory_space<vmem>>, vector<16xf32>,
    %gather3A_329 = tpu.vector_load_idx %arg6[%get3A_3] : memref<100000xf32, #tpu.memory_space<vmem>>[vector<16xi32>], vector<16xf32>,
    %swap3A_330 = arith.constant 16 : index
    %swap3A_331 = tpu.vector_load %arg7[%swap3A_330] {strides = array<i32>} : memref<1024xf32, #tpu.memory_space<vmem>>, vector<16xf32>,
    tpu.vector_store %arg7[%swap3A_330], %gather3A_329 {strides = array<i32>} : memref<1024xf32, #tpu.memory_space<vmem>>, vector<16xf32>,
    %gather3A_332 = tpu.vector_load_idx %arg6[%get3A_5] : memref<100000xf32, #tpu.memory_space<vmem>>[vector<16xi32>], vector<16xf32>,
    %swap3A_333 = arith.constant 32 : index
    %swap3A_334 = tpu.vector_load %arg7[%swap3A_333] {strides = array<i32>} : memref<1024xf32, #tpu.memory_space<vmem>>, vector<16xf32>,
    tpu.vector_store %arg7[%swap3A_333], %gather3A_332 {strides = array<i32>} : memref<1024xf32, #tpu.memory_space<vmem>>, vector<16xf32>,
    %gather3A_335 = tpu.vector_load_idx %arg6[%get3A_7] : memref<100000xf32, #tpu.memory_space<vmem>>[vector<16xi32>], vector<16xf32>,
    %swap3A_336 = arith.constant 48 : index
    %swap3A_337 = tpu.vector_load %arg7[%swap3A_336] {strides = array<i32>} : memref<1024xf32, #tpu.memory_space<vmem>>, vector<16xf32>,
    tpu.vector_store %arg7[%swap3A_336], %gather3A_335 {strides = array<i32>} : memref<1024xf32, #tpu.memory_space<vmem>>, vector<16xf32>,
    %gather3A_338 = tpu.vector_load_idx %arg6[%get3A_9] : memref<100000xf32, #tpu.memory_space<vmem>>[vector<16xi32>], vector<16xf32>,
    %swap3A_339 = arith.constant 64 : index
    %swap3A_340 = tpu.vector_load %arg7[%swap3A_339] {strides = array<i32>} : memref<1024xf32, #tpu.memory_space<vmem>>, vector<16xf32>,
    tpu.vector_store %arg7[%swap3A_339], %gather3A_338 {strides = array<i32>} : memref<1024xf32, #tpu.memory_space<vmem>>, vector<16xf32>,
    %gather3A_341 = tpu.vector_load_idx %arg6[%get3A_11] : memref<100000xf32, #tpu.memory_space<vmem>>[vector<16xi32>], vector<16xf32>,
    %swap3A_342 = arith.constant 80 : index
    %swap3A_343 = tpu.vector_load %arg7[%swap3A_342] {strides = array<i32>} : memref<1024xf32, #tpu.memory_space<vmem>>, vector<16xf32>,
    tpu.vector_store %arg7[%swap3A_342], %gather3A_341 {strides = array<i32>} : memref<1024xf32, #tpu.memory_space<vmem>>, vector<16xf32>,
    %gather3A_344 = tpu.vector_load_idx %arg6[%get3A_13] : memref<100000xf32, #tpu.memory_space<vmem>>[vector<16xi32>], vector<16xf32>,
    %swap3A_345 = arith.constant 96 : index
    %swap3A_346 = tpu.vector_load %arg7[%swap3A_345] {strides = array<i32>} : memref<1024xf32, #tpu.memory_space<vmem>>, vector<16xf32>,
    tpu.vector_store %arg7[%swap3A_345], %gather3A_344 {strides = array<i32>} : memref<1024xf32, #tpu.memory_space<vmem>>, vector<16xf32>,
    %gather3A_347 = tpu.vector_load_idx %arg6[%get3A_15] : memref<100000xf32, #tpu.memory_space<vmem>>[vector<16xi32>], vector<16xf32>,
    %swap3A_348 = arith.constant 112 : index
    %swap3A_349 = tpu.vector_load %arg7[%swap3A_348] {strides = array<i32>} : memref<1024xf32, #tpu.memory_space<vmem>>, vector<16xf32>,
    tpu.vector_store %arg7[%swap3A_348], %gather3A_347 {strides = array<i32>} : memref<1024xf32, #tpu.memory_space<vmem>>, vector<16xf32>,
    %gather3A_350 = tpu.vector_load_idx %arg6[%get3A_17] : memref<100000xf32, #tpu.memory_space<vmem>>[vector<16xi32>], vector<16xf32>,
    %swap3A_351 = arith.constant 128 : index
    %swap3A_352 = tpu.vector_load %arg7[%swap3A_351] {strides = array<i32>} : memref<1024xf32, #tpu.memory_space<vmem>>, vector<16xf32>,
    tpu.vector_store %arg7[%swap3A_351], %gather3A_350 {strides = array<i32>} : memref<1024xf32, #tpu.memory_space<vmem>>, vector<16xf32>,
    %gather3A_353 = tpu.vector_load_idx %arg6[%get3A_19] : memref<100000xf32, #tpu.memory_space<vmem>>[vector<16xi32>], vector<16xf32>,
    %swap3A_354 = arith.constant 144 : index
    %swap3A_355 = tpu.vector_load %arg7[%swap3A_354] {strides = array<i32>} : memref<1024xf32, #tpu.memory_space<vmem>>, vector<16xf32>,
    tpu.vector_store %arg7[%swap3A_354], %gather3A_353 {strides = array<i32>} : memref<1024xf32, #tpu.memory_space<vmem>>, vector<16xf32>,
    %gather3A_356 = tpu.vector_load_idx %arg6[%get3A_21] : memref<100000xf32, #tpu.memory_space<vmem>>[vector<16xi32>], vector<16xf32>,
    %swap3A_357 = arith.constant 160 : index
    %swap3A_358 = tpu.vector_load %arg7[%swap3A_357] {strides = array<i32>} : memref<1024xf32, #tpu.memory_space<vmem>>, vector<16xf32>,
    tpu.vector_store %arg7[%swap3A_357], %gather3A_356 {strides = array<i32>} : memref<1024xf32, #tpu.memory_space<vmem>>, vector<16xf32>,
    %gather3A_359 = tpu.vector_load_idx %arg6[%get3A_23] : memref<100000xf32, #tpu.memory_space<vmem>>[vector<16xi32>], vector<16xf32>,
    %swap3A_360 = arith.constant 176 : index
    %swap3A_361 = tpu.vector_load %arg7[%swap3A_360] {strides = array<i32>} : memref<1024xf32, #tpu.memory_space<vmem>>, vector<16xf32>,
    tpu.vector_store %arg7[%swap3A_360], %gather3A_359 {strides = array<i32>} : memref<1024xf32, #tpu.memory_space<vmem>>, vector<16xf32>,
    %gather3A_362 = tpu.vector_load_idx %arg6[%get3A_25] : memref<100000xf32, #tpu.memory_space<vmem>>[vector<16xi32>], vector<16xf32>,
    %swap3A_363 = arith.constant 192 : index
    %swap3A_364 = tpu.vector_load %arg7[%swap3A_363] {strides = array<i32>} : memref<1024xf32, #tpu.memory_space<vmem>>, vector<16xf32>,
    tpu.vector_store %arg7[%swap3A_363], %gather3A_362 {strides = array<i32>} : memref<1024xf32, #tpu.memory_space<vmem>>, vector<16xf32>,
    %gather3A_365 = tpu.vector_load_idx %arg6[%get3A_27] : memref<100000xf32, #tpu.memory_space<vmem>>[vector<16xi32>], vector<16xf32>,
    %swap3A_366 = arith.constant 208 : index
    %swap3A_367 = tpu.vector_load %arg7[%swap3A_366] {strides = array<i32>} : memref<1024xf32, #tpu.memory_space<vmem>>, vector<16xf32>,
    tpu.vector_store %arg7[%swap3A_366], %gather3A_365 {strides = array<i32>} : memref<1024xf32, #tpu.memory_space<vmem>>, vector<16xf32>,
    %gather3A_368 = tpu.vector_load_idx %arg6[%get3A_29] : memref<100000xf32, #tpu.memory_space<vmem>>[vector<16xi32>], vector<16xf32>,
    %swap3A_369 = arith.constant 224 : index
    %swap3A_370 = tpu.vector_load %arg7[%swap3A_369] {strides = array<i32>} : memref<1024xf32, #tpu.memory_space<vmem>>, vector<16xf32>,
    tpu.vector_store %arg7[%swap3A_369], %gather3A_368 {strides = array<i32>} : memref<1024xf32, #tpu.memory_space<vmem>>, vector<16xf32>,
    %gather3A_371 = tpu.vector_load_idx %arg6[%get3A_31] : memref<100000xf32, #tpu.memory_space<vmem>>[vector<16xi32>], vector<16xf32>,
    %swap3A_372 = arith.constant 240 : index
    %swap3A_373 = tpu.vector_load %arg7[%swap3A_372] {strides = array<i32>} : memref<1024xf32, #tpu.memory_space<vmem>>, vector<16xf32>,
    tpu.vector_store %arg7[%swap3A_372], %gather3A_371 {strides = array<i32>} : memref<1024xf32, #tpu.memory_space<vmem>>, vector<16xf32>,
    %gather3A_374 = tpu.vector_load_idx %arg6[%get3A_33] : memref<100000xf32, #tpu.memory_space<vmem>>[vector<16xi32>], vector<16xf32>,
    %swap3A_375 = arith.constant 256 : index
    %swap3A_376 = tpu.vector_load %arg7[%swap3A_375] {strides = array<i32>} : memref<1024xf32, #tpu.memory_space<vmem>>, vector<16xf32>,
    tpu.vector_store %arg7[%swap3A_375], %gather3A_374 {strides = array<i32>} : memref<1024xf32, #tpu.memory_space<vmem>>, vector<16xf32>,
    %gather3A_377 = tpu.vector_load_idx %arg6[%get3A_35] : memref<100000xf32, #tpu.memory_space<vmem>>[vector<16xi32>], vector<16xf32>,
    %swap3A_378 = arith.constant 272 : index
    %swap3A_379 = tpu.vector_load %arg7[%swap3A_378] {strides = array<i32>} : memref<1024xf32, #tpu.memory_space<vmem>>, vector<16xf32>,
    tpu.vector_store %arg7[%swap3A_378], %gather3A_377 {strides = array<i32>} : memref<1024xf32, #tpu.memory_space<vmem>>, vector<16xf32>,
    %gather3A_380 = tpu.vector_load_idx %arg6[%get3A_37] : memref<100000xf32, #tpu.memory_space<vmem>>[vector<16xi32>], vector<16xf32>,
    %swap3A_381 = arith.constant 288 : index
    %swap3A_382 = tpu.vector_load %arg7[%swap3A_381] {strides = array<i32>} : memref<1024xf32, #tpu.memory_space<vmem>>, vector<16xf32>,
    tpu.vector_store %arg7[%swap3A_381], %gather3A_380 {strides = array<i32>} : memref<1024xf32, #tpu.memory_space<vmem>>, vector<16xf32>,
    %gather3A_383 = tpu.vector_load_idx %arg6[%get3A_39] : memref<100000xf32, #tpu.memory_space<vmem>>[vector<16xi32>], vector<16xf32>,
    %swap3A_384 = arith.constant 304 : index
    %swap3A_385 = tpu.vector_load %arg7[%swap3A_384] {strides = array<i32>} : memref<1024xf32, #tpu.memory_space<vmem>>, vector<16xf32>,
    tpu.vector_store %arg7[%swap3A_384], %gather3A_383 {strides = array<i32>} : memref<1024xf32, #tpu.memory_space<vmem>>, vector<16xf32>,
    %gather3A_386 = tpu.vector_load_idx %arg6[%get3A_41] : memref<100000xf32, #tpu.memory_space<vmem>>[vector<16xi32>], vector<16xf32>,
    %swap3A_387 = arith.constant 320 : index
    %swap3A_388 = tpu.vector_load %arg7[%swap3A_387] {strides = array<i32>} : memref<1024xf32, #tpu.memory_space<vmem>>, vector<16xf32>,
    tpu.vector_store %arg7[%swap3A_387], %gather3A_386 {strides = array<i32>} : memref<1024xf32, #tpu.memory_space<vmem>>, vector<16xf32>,
    %gather3A_389 = tpu.vector_load_idx %arg6[%get3A_43] : memref<100000xf32, #tpu.memory_space<vmem>>[vector<16xi32>], vector<16xf32>,
    %swap3A_390 = arith.constant 336 : index
    %swap3A_391 = tpu.vector_load %arg7[%swap3A_390] {strides = array<i32>} : memref<1024xf32, #tpu.memory_space<vmem>>, vector<16xf32>,
    tpu.vector_store %arg7[%swap3A_390], %gather3A_389 {strides = array<i32>} : memref<1024xf32, #tpu.memory_space<vmem>>, vector<16xf32>,
    %gather3A_392 = tpu.vector_load_idx %arg6[%get3A_45] : memref<100000xf32, #tpu.memory_space<vmem>>[vector<16xi32>], vector<16xf32>,
    %swap3A_393 = arith.constant 352 : index
    %swap3A_394 = tpu.vector_load %arg7[%swap3A_393] {strides = array<i32>} : memref<1024xf32, #tpu.memory_space<vmem>>, vector<16xf32>,
    tpu.vector_store %arg7[%swap3A_393], %gather3A_392 {strides = array<i32>} : memref<1024xf32, #tpu.memory_space<vmem>>, vector<16xf32>,
    %gather3A_395 = tpu.vector_load_idx %arg6[%get3A_47] : memref<100000xf32, #tpu.memory_space<vmem>>[vector<16xi32>], vector<16xf32>,
    %swap3A_396 = arith.constant 368 : index
    %swap3A_397 = tpu.vector_load %arg7[%swap3A_396] {strides = array<i32>} : memref<1024xf32, #tpu.memory_space<vmem>>, vector<16xf32>,
    tpu.vector_store %arg7[%swap3A_396], %gather3A_395 {strides = array<i32>} : memref<1024xf32, #tpu.memory_space<vmem>>, vector<16xf32>,
    %gather3A_398 = tpu.vector_load_idx %arg6[%get3A_49] : memref<100000xf32, #tpu.memory_space<vmem>>[vector<16xi32>], vector<16xf32>,
    %swap3A_399 = arith.constant 384 : index
    %swap3A_400 = tpu.vector_load %arg7[%swap3A_399] {strides = array<i32>} : memref<1024xf32, #tpu.memory_space<vmem>>, vector<16xf32>,
    tpu.vector_store %arg7[%swap3A_399], %gather3A_398 {strides = array<i32>} : memref<1024xf32, #tpu.memory_space<vmem>>, vector<16xf32>,
    %gather3A_401 = tpu.vector_load_idx %arg6[%get3A_51] : memref<100000xf32, #tpu.memory_space<vmem>>[vector<16xi32>], vector<16xf32>,
    %swap3A_402 = arith.constant 400 : index
    %swap3A_403 = tpu.vector_load %arg7[%swap3A_402] {strides = array<i32>} : memref<1024xf32, #tpu.memory_space<vmem>>, vector<16xf32>,
    tpu.vector_store %arg7[%swap3A_402], %gather3A_401 {strides = array<i32>} : memref<1024xf32, #tpu.memory_space<vmem>>, vector<16xf32>,
    %gather3A_404 = tpu.vector_load_idx %arg6[%get3A_53] : memref<100000xf32, #tpu.memory_space<vmem>>[vector<16xi32>], vector<16xf32>,
    %swap3A_405 = arith.constant 416 : index
    %swap3A_406 = tpu.vector_load %arg7[%swap3A_405] {strides = array<i32>} : memref<1024xf32, #tpu.memory_space<vmem>>, vector<16xf32>,
    tpu.vector_store %arg7[%swap3A_405], %gather3A_404 {strides = array<i32>} : memref<1024xf32, #tpu.memory_space<vmem>>, vector<16xf32>,
    %gather3A_407 = tpu.vector_load_idx %arg6[%get3A_55] : memref<100000xf32, #tpu.memory_space<vmem>>[vector<16xi32>], vector<16xf32>,
    %swap3A_408 = arith.constant 432 : index
    %swap3A_409 = tpu.vector_load %arg7[%swap3A_408] {strides = array<i32>} : memref<1024xf32, #tpu.memory_space<vmem>>, vector<16xf32>,
    tpu.vector_store %arg7[%swap3A_408], %gather3A_407 {strides = array<i32>} : memref<1024xf32, #tpu.memory_space<vmem>>, vector<16xf32>,
    %gather3A_410 = tpu.vector_load_idx %arg6[%get3A_57] : memref<100000xf32, #tpu.memory_space<vmem>>[vector<16xi32>], vector<16xf32>,
    %swap3A_411 = arith.constant 448 : index
    %swap3A_412 = tpu.vector_load %arg7[%swap3A_411] {strides = array<i32>} : memref<1024xf32, #tpu.memory_space<vmem>>, vector<16xf32>,
    tpu.vector_store %arg7[%swap3A_411], %gather3A_410 {strides = array<i32>} : memref<1024xf32, #tpu.memory_space<vmem>>, vector<16xf32>,
    %gather3A_413 = tpu.vector_load_idx %arg6[%get3A_59] : memref<100000xf32, #tpu.memory_space<vmem>>[vector<16xi32>], vector<16xf32>,
    %swap3A_414 = arith.constant 464 : index
    %swap3A_415 = tpu.vector_load %arg7[%swap3A_414] {strides = array<i32>} : memref<1024xf32, #tpu.memory_space<vmem>>, vector<16xf32>,
    tpu.vector_store %arg7[%swap3A_414], %gather3A_413 {strides = array<i32>} : memref<1024xf32, #tpu.memory_space<vmem>>, vector<16xf32>,
    %gather3A_416 = tpu.vector_load_idx %arg6[%get3A_61] : memref<100000xf32, #tpu.memory_space<vmem>>[vector<16xi32>], vector<16xf32>,
    %swap3A_417 = arith.constant 480 : index
    %swap3A_418 = tpu.vector_load %arg7[%swap3A_417] {strides = array<i32>} : memref<1024xf32, #tpu.memory_space<vmem>>, vector<16xf32>,
    tpu.vector_store %arg7[%swap3A_417], %gather3A_416 {strides = array<i32>} : memref<1024xf32, #tpu.memory_space<vmem>>, vector<16xf32>,
    %gather3A_419 = tpu.vector_load_idx %arg6[%get3A_63] : memref<100000xf32, #tpu.memory_space<vmem>>[vector<16xi32>], vector<16xf32>,
    %swap3A_420 = arith.constant 496 : index
    %swap3A_421 = tpu.vector_load %arg7[%swap3A_420] {strides = array<i32>} : memref<1024xf32, #tpu.memory_space<vmem>>, vector<16xf32>,
    tpu.vector_store %arg7[%swap3A_420], %gather3A_419 {strides = array<i32>} : memref<1024xf32, #tpu.memory_space<vmem>>, vector<16xf32>,
    %gather3A_422 = tpu.vector_load_idx %arg6[%get3A_65] : memref<100000xf32, #tpu.memory_space<vmem>>[vector<16xi32>], vector<16xf32>,
    %swap3A_423 = arith.constant 512 : index
    %swap3A_424 = tpu.vector_load %arg7[%swap3A_423] {strides = array<i32>} : memref<1024xf32, #tpu.memory_space<vmem>>, vector<16xf32>,
    tpu.vector_store %arg7[%swap3A_423], %gather3A_422 {strides = array<i32>} : memref<1024xf32, #tpu.memory_space<vmem>>, vector<16xf32>,
    %gather3A_425 = tpu.vector_load_idx %arg6[%get3A_67] : memref<100000xf32, #tpu.memory_space<vmem>>[vector<16xi32>], vector<16xf32>,
    %swap3A_426 = arith.constant 528 : index
    %swap3A_427 = tpu.vector_load %arg7[%swap3A_426] {strides = array<i32>} : memref<1024xf32, #tpu.memory_space<vmem>>, vector<16xf32>,
    tpu.vector_store %arg7[%swap3A_426], %gather3A_425 {strides = array<i32>} : memref<1024xf32, #tpu.memory_space<vmem>>, vector<16xf32>,
    %gather3A_428 = tpu.vector_load_idx %arg6[%get3A_69] : memref<100000xf32, #tpu.memory_space<vmem>>[vector<16xi32>], vector<16xf32>,
    %swap3A_429 = arith.constant 544 : index
    %swap3A_430 = tpu.vector_load %arg7[%swap3A_429] {strides = array<i32>} : memref<1024xf32, #tpu.memory_space<vmem>>, vector<16xf32>,
    tpu.vector_store %arg7[%swap3A_429], %gather3A_428 {strides = array<i32>} : memref<1024xf32, #tpu.memory_space<vmem>>, vector<16xf32>,
    %gather3A_431 = tpu.vector_load_idx %arg6[%get3A_71] : memref<100000xf32, #tpu.memory_space<vmem>>[vector<16xi32>], vector<16xf32>,
    %swap3A_432 = arith.constant 560 : index
    %swap3A_433 = tpu.vector_load %arg7[%swap3A_432] {strides = array<i32>} : memref<1024xf32, #tpu.memory_space<vmem>>, vector<16xf32>,
    tpu.vector_store %arg7[%swap3A_432], %gather3A_431 {strides = array<i32>} : memref<1024xf32, #tpu.memory_space<vmem>>, vector<16xf32>,
    %gather3A_434 = tpu.vector_load_idx %arg6[%get3A_73] : memref<100000xf32, #tpu.memory_space<vmem>>[vector<16xi32>], vector<16xf32>,
    %swap3A_435 = arith.constant 576 : index
    %swap3A_436 = tpu.vector_load %arg7[%swap3A_435] {strides = array<i32>} : memref<1024xf32, #tpu.memory_space<vmem>>, vector<16xf32>,
    tpu.vector_store %arg7[%swap3A_435], %gather3A_434 {strides = array<i32>} : memref<1024xf32, #tpu.memory_space<vmem>>, vector<16xf32>,
    %gather3A_437 = tpu.vector_load_idx %arg6[%get3A_75] : memref<100000xf32, #tpu.memory_space<vmem>>[vector<16xi32>], vector<16xf32>,
    %swap3A_438 = arith.constant 592 : index
    %swap3A_439 = tpu.vector_load %arg7[%swap3A_438] {strides = array<i32>} : memref<1024xf32, #tpu.memory_space<vmem>>, vector<16xf32>,
    tpu.vector_store %arg7[%swap3A_438], %gather3A_437 {strides = array<i32>} : memref<1024xf32, #tpu.memory_space<vmem>>, vector<16xf32>,
    %gather3A_440 = tpu.vector_load_idx %arg6[%get3A_77] : memref<100000xf32, #tpu.memory_space<vmem>>[vector<16xi32>], vector<16xf32>,
    %swap3A_441 = arith.constant 608 : index
    %swap3A_442 = tpu.vector_load %arg7[%swap3A_441] {strides = array<i32>} : memref<1024xf32, #tpu.memory_space<vmem>>, vector<16xf32>,
    tpu.vector_store %arg7[%swap3A_441], %gather3A_440 {strides = array<i32>} : memref<1024xf32, #tpu.memory_space<vmem>>, vector<16xf32>,
    %gather3A_443 = tpu.vector_load_idx %arg6[%get3A_79] : memref<100000xf32, #tpu.memory_space<vmem>>[vector<16xi32>], vector<16xf32>,
    %swap3A_444 = arith.constant 624 : index
    %swap3A_445 = tpu.vector_load %arg7[%swap3A_444] {strides = array<i32>} : memref<1024xf32, #tpu.memory_space<vmem>>, vector<16xf32>,
    tpu.vector_store %arg7[%swap3A_444], %gather3A_443 {strides = array<i32>} : memref<1024xf32, #tpu.memory_space<vmem>>, vector<16xf32>,
    %gather3A_446 = tpu.vector_load_idx %arg6[%get3A_81] : memref<100000xf32, #tpu.memory_space<vmem>>[vector<16xi32>], vector<16xf32>,
    %swap3A_447 = arith.constant 640 : index
    %swap3A_448 = tpu.vector_load %arg7[%swap3A_447] {strides = array<i32>} : memref<1024xf32, #tpu.memory_space<vmem>>, vector<16xf32>,
    tpu.vector_store %arg7[%swap3A_447], %gather3A_446 {strides = array<i32>} : memref<1024xf32, #tpu.memory_space<vmem>>, vector<16xf32>,
    %gather3A_449 = tpu.vector_load_idx %arg6[%get3A_83] : memref<100000xf32, #tpu.memory_space<vmem>>[vector<16xi32>], vector<16xf32>,
    %swap3A_450 = arith.constant 656 : index
    %swap3A_451 = tpu.vector_load %arg7[%swap3A_450] {strides = array<i32>} : memref<1024xf32, #tpu.memory_space<vmem>>, vector<16xf32>,
    tpu.vector_store %arg7[%swap3A_450], %gather3A_449 {strides = array<i32>} : memref<1024xf32, #tpu.memory_space<vmem>>, vector<16xf32>,
    %gather3A_452 = tpu.vector_load_idx %arg6[%get3A_85] : memref<100000xf32, #tpu.memory_space<vmem>>[vector<16xi32>], vector<16xf32>,
    %swap3A_453 = arith.constant 672 : index
    %swap3A_454 = tpu.vector_load %arg7[%swap3A_453] {strides = array<i32>} : memref<1024xf32, #tpu.memory_space<vmem>>, vector<16xf32>,
    tpu.vector_store %arg7[%swap3A_453], %gather3A_452 {strides = array<i32>} : memref<1024xf32, #tpu.memory_space<vmem>>, vector<16xf32>,
    %gather3A_455 = tpu.vector_load_idx %arg6[%get3A_87] : memref<100000xf32, #tpu.memory_space<vmem>>[vector<16xi32>], vector<16xf32>,
    %swap3A_456 = arith.constant 688 : index
    %swap3A_457 = tpu.vector_load %arg7[%swap3A_456] {strides = array<i32>} : memref<1024xf32, #tpu.memory_space<vmem>>, vector<16xf32>,
    tpu.vector_store %arg7[%swap3A_456], %gather3A_455 {strides = array<i32>} : memref<1024xf32, #tpu.memory_space<vmem>>, vector<16xf32>,
    %gather3A_458 = tpu.vector_load_idx %arg6[%get3A_89] : memref<100000xf32, #tpu.memory_space<vmem>>[vector<16xi32>], vector<16xf32>,
    %swap3A_459 = arith.constant 704 : index
    %swap3A_460 = tpu.vector_load %arg7[%swap3A_459] {strides = array<i32>} : memref<1024xf32, #tpu.memory_space<vmem>>, vector<16xf32>,
    tpu.vector_store %arg7[%swap3A_459], %gather3A_458 {strides = array<i32>} : memref<1024xf32, #tpu.memory_space<vmem>>, vector<16xf32>,
    %gather3A_461 = tpu.vector_load_idx %arg6[%get3A_91] : memref<100000xf32, #tpu.memory_space<vmem>>[vector<16xi32>], vector<16xf32>,
    %swap3A_462 = arith.constant 720 : index
    %swap3A_463 = tpu.vector_load %arg7[%swap3A_462] {strides = array<i32>} : memref<1024xf32, #tpu.memory_space<vmem>>, vector<16xf32>,
    tpu.vector_store %arg7[%swap3A_462], %gather3A_461 {strides = array<i32>} : memref<1024xf32, #tpu.memory_space<vmem>>, vector<16xf32>,
    %gather3A_464 = tpu.vector_load_idx %arg6[%get3A_93] : memref<100000xf32, #tpu.memory_space<vmem>>[vector<16xi32>], vector<16xf32>,
    %swap3A_465 = arith.constant 736 : index
    %swap3A_466 = tpu.vector_load %arg7[%swap3A_465] {strides = array<i32>} : memref<1024xf32, #tpu.memory_space<vmem>>, vector<16xf32>,
    tpu.vector_store %arg7[%swap3A_465], %gather3A_464 {strides = array<i32>} : memref<1024xf32, #tpu.memory_space<vmem>>, vector<16xf32>,
    %gather3A_467 = tpu.vector_load_idx %arg6[%get3A_95] : memref<100000xf32, #tpu.memory_space<vmem>>[vector<16xi32>], vector<16xf32>,
    %swap3A_468 = arith.constant 752 : index
    %swap3A_469 = tpu.vector_load %arg7[%swap3A_468] {strides = array<i32>} : memref<1024xf32, #tpu.memory_space<vmem>>, vector<16xf32>,
    tpu.vector_store %arg7[%swap3A_468], %gather3A_467 {strides = array<i32>} : memref<1024xf32, #tpu.memory_space<vmem>>, vector<16xf32>,
    %gather3A_470 = tpu.vector_load_idx %arg6[%get3A_97] : memref<100000xf32, #tpu.memory_space<vmem>>[vector<16xi32>], vector<16xf32>,
    %swap3A_471 = arith.constant 768 : index
    %swap3A_472 = tpu.vector_load %arg7[%swap3A_471] {strides = array<i32>} : memref<1024xf32, #tpu.memory_space<vmem>>, vector<16xf32>,
    tpu.vector_store %arg7[%swap3A_471], %gather3A_470 {strides = array<i32>} : memref<1024xf32, #tpu.memory_space<vmem>>, vector<16xf32>,
    %gather3A_473 = tpu.vector_load_idx %arg6[%get3A_99] : memref<100000xf32, #tpu.memory_space<vmem>>[vector<16xi32>], vector<16xf32>,
    %swap3A_474 = arith.constant 784 : index
    %swap3A_475 = tpu.vector_load %arg7[%swap3A_474] {strides = array<i32>} : memref<1024xf32, #tpu.memory_space<vmem>>, vector<16xf32>,
    tpu.vector_store %arg7[%swap3A_474], %gather3A_473 {strides = array<i32>} : memref<1024xf32, #tpu.memory_space<vmem>>, vector<16xf32>,
    %gather3A_476 = tpu.vector_load_idx %arg6[%get3A_101] : memref<100000xf32, #tpu.memory_space<vmem>>[vector<16xi32>], vector<16xf32>,
    %swap3A_477 = arith.constant 800 : index
    %swap3A_478 = tpu.vector_load %arg7[%swap3A_477] {strides = array<i32>} : memref<1024xf32, #tpu.memory_space<vmem>>, vector<16xf32>,
    tpu.vector_store %arg7[%swap3A_477], %gather3A_476 {strides = array<i32>} : memref<1024xf32, #tpu.memory_space<vmem>>, vector<16xf32>,
    %gather3A_479 = tpu.vector_load_idx %arg6[%get3A_103] : memref<100000xf32, #tpu.memory_space<vmem>>[vector<16xi32>], vector<16xf32>,
    %swap3A_480 = arith.constant 816 : index
    %swap3A_481 = tpu.vector_load %arg7[%swap3A_480] {strides = array<i32>} : memref<1024xf32, #tpu.memory_space<vmem>>, vector<16xf32>,
    tpu.vector_store %arg7[%swap3A_480], %gather3A_479 {strides = array<i32>} : memref<1024xf32, #tpu.memory_space<vmem>>, vector<16xf32>,
    %gather3A_482 = tpu.vector_load_idx %arg6[%get3A_105] : memref<100000xf32, #tpu.memory_space<vmem>>[vector<16xi32>], vector<16xf32>,
    %swap3A_483 = arith.constant 832 : index
    %swap3A_484 = tpu.vector_load %arg7[%swap3A_483] {strides = array<i32>} : memref<1024xf32, #tpu.memory_space<vmem>>, vector<16xf32>,
    tpu.vector_store %arg7[%swap3A_483], %gather3A_482 {strides = array<i32>} : memref<1024xf32, #tpu.memory_space<vmem>>, vector<16xf32>,
    %gather3A_485 = tpu.vector_load_idx %arg6[%get3A_107] : memref<100000xf32, #tpu.memory_space<vmem>>[vector<16xi32>], vector<16xf32>,
    %swap3A_486 = arith.constant 848 : index
    %swap3A_487 = tpu.vector_load %arg7[%swap3A_486] {strides = array<i32>} : memref<1024xf32, #tpu.memory_space<vmem>>, vector<16xf32>,
    tpu.vector_store %arg7[%swap3A_486], %gather3A_485 {strides = array<i32>} : memref<1024xf32, #tpu.memory_space<vmem>>, vector<16xf32>,
    %gather3A_488 = tpu.vector_load_idx %arg6[%get3A_109] : memref<100000xf32, #tpu.memory_space<vmem>>[vector<16xi32>], vector<16xf32>,
    %swap3A_489 = arith.constant 864 : index
    %swap3A_490 = tpu.vector_load %arg7[%swap3A_489] {strides = array<i32>} : memref<1024xf32, #tpu.memory_space<vmem>>, vector<16xf32>,
    tpu.vector_store %arg7[%swap3A_489], %gather3A_488 {strides = array<i32>} : memref<1024xf32, #tpu.memory_space<vmem>>, vector<16xf32>,
    %gather3A_491 = tpu.vector_load_idx %arg6[%get3A_111] : memref<100000xf32, #tpu.memory_space<vmem>>[vector<16xi32>], vector<16xf32>,
    %swap3A_492 = arith.constant 880 : index
    %swap3A_493 = tpu.vector_load %arg7[%swap3A_492] {strides = array<i32>} : memref<1024xf32, #tpu.memory_space<vmem>>, vector<16xf32>,
    tpu.vector_store %arg7[%swap3A_492], %gather3A_491 {strides = array<i32>} : memref<1024xf32, #tpu.memory_space<vmem>>, vector<16xf32>,
    %gather3A_494 = tpu.vector_load_idx %arg6[%get3A_113] : memref<100000xf32, #tpu.memory_space<vmem>>[vector<16xi32>], vector<16xf32>,
    %swap3A_495 = arith.constant 896 : index
    %swap3A_496 = tpu.vector_load %arg7[%swap3A_495] {strides = array<i32>} : memref<1024xf32, #tpu.memory_space<vmem>>, vector<16xf32>,
    tpu.vector_store %arg7[%swap3A_495], %gather3A_494 {strides = array<i32>} : memref<1024xf32, #tpu.memory_space<vmem>>, vector<16xf32>,
    %gather3A_497 = tpu.vector_load_idx %arg6[%get3A_115] : memref<100000xf32, #tpu.memory_space<vmem>>[vector<16xi32>], vector<16xf32>,
    %swap3A_498 = arith.constant 912 : index
    %swap3A_499 = tpu.vector_load %arg7[%swap3A_498] {strides = array<i32>} : memref<1024xf32, #tpu.memory_space<vmem>>, vector<16xf32>,
    tpu.vector_store %arg7[%swap3A_498], %gather3A_497 {strides = array<i32>} : memref<1024xf32, #tpu.memory_space<vmem>>, vector<16xf32>,
    %gather3A_500 = tpu.vector_load_idx %arg6[%get3A_117] : memref<100000xf32, #tpu.memory_space<vmem>>[vector<16xi32>], vector<16xf32>,
    %swap3A_501 = arith.constant 928 : index
    %swap3A_502 = tpu.vector_load %arg7[%swap3A_501] {strides = array<i32>} : memref<1024xf32, #tpu.memory_space<vmem>>, vector<16xf32>,
    tpu.vector_store %arg7[%swap3A_501], %gather3A_500 {strides = array<i32>} : memref<1024xf32, #tpu.memory_space<vmem>>, vector<16xf32>,
    %gather3A_503 = tpu.vector_load_idx %arg6[%get3A_119] : memref<100000xf32, #tpu.memory_space<vmem>>[vector<16xi32>], vector<16xf32>,
    %swap3A_504 = arith.constant 944 : index
    %swap3A_505 = tpu.vector_load %arg7[%swap3A_504] {strides = array<i32>} : memref<1024xf32, #tpu.memory_space<vmem>>, vector<16xf32>,
    tpu.vector_store %arg7[%swap3A_504], %gather3A_503 {strides = array<i32>} : memref<1024xf32, #tpu.memory_space<vmem>>, vector<16xf32>,
    %gather3A_506 = tpu.vector_load_idx %arg6[%get3A_121] : memref<100000xf32, #tpu.memory_space<vmem>>[vector<16xi32>], vector<16xf32>,
    %swap3A_507 = arith.constant 960 : index
    %swap3A_508 = tpu.vector_load %arg7[%swap3A_507] {strides = array<i32>} : memref<1024xf32, #tpu.memory_space<vmem>>, vector<16xf32>,
    tpu.vector_store %arg7[%swap3A_507], %gather3A_506 {strides = array<i32>} : memref<1024xf32, #tpu.memory_space<vmem>>, vector<16xf32>,
    %gather3A_509 = tpu.vector_load_idx %arg6[%get3A_123] : memref<100000xf32, #tpu.memory_space<vmem>>[vector<16xi32>], vector<16xf32>,
    %swap3A_510 = arith.constant 976 : index
    %swap3A_511 = tpu.vector_load %arg7[%swap3A_510] {strides = array<i32>} : memref<1024xf32, #tpu.memory_space<vmem>>, vector<16xf32>,
    tpu.vector_store %arg7[%swap3A_510], %gather3A_509 {strides = array<i32>} : memref<1024xf32, #tpu.memory_space<vmem>>, vector<16xf32>,
    %gather3A_512 = tpu.vector_load_idx %arg6[%get3A_125] : memref<100000xf32, #tpu.memory_space<vmem>>[vector<16xi32>], vector<16xf32>,
    %swap3A_513 = arith.constant 992 : index
    %swap3A_514 = tpu.vector_load %arg7[%swap3A_513] {strides = array<i32>} : memref<1024xf32, #tpu.memory_space<vmem>>, vector<16xf32>,
    tpu.vector_store %arg7[%swap3A_513], %gather3A_512 {strides = array<i32>} : memref<1024xf32, #tpu.memory_space<vmem>>, vector<16xf32>,
    %gather3A_515 = tpu.vector_load_idx %arg6[%get3A_127] : memref<100000xf32, #tpu.memory_space<vmem>>[vector<16xi32>], vector<16xf32>,
    %swap3A_516 = arith.constant 1008 : index
    %swap3A_517 = tpu.vector_load %arg7[%swap3A_516] {strides = array<i32>} : memref<1024xf32, #tpu.memory_space<vmem>>, vector<16xf32>,
    tpu.vector_store %arg7[%swap3A_516], %gather3A_515 {strides = array<i32>} : memref<1024xf32, #tpu.memory_space<vmem>>, vector<16xf32>,
    "tpu.region"() ({
      %run_scoped3A = tpu.sem_alloc : memref<!tpu.dma_semaphore, #tpu.memory_space<semaphore_mem>>
      %dma_start3A = arith.constant 0 : i32
      %dma_start3A_518 = tpu.memref_slice %arg4[%add3A_325, %dma_start3A] : memref<64x1024xf32, #tpu.memory_space<hbm>> -> memref<1x1024xf32, #tpu.memory_space<hbm>>
      %dma_start3A_519 = tpu.memref_squeeze %dma_start3A_518 : memref<1x1024xf32, #tpu.memory_space<hbm>> -> memref<1024xf32, #tpu.memory_space<hbm>>
      %dma_start3A_520 = arith.constant 0 : i32
      %dma_start3A_521 = tpu.memref_slice %arg4[%add3A_325, %dma_start3A_520] : memref<64x1024xf32, #tpu.memory_space<hbm>> -> memref<1x1024xf32, #tpu.memory_space<hbm>>
      %dma_start3A_522 = tpu.memref_squeeze %dma_start3A_521 : memref<1x1024xf32, #tpu.memory_space<hbm>> -> memref<1024xf32, #tpu.memory_space<hbm>>
      tpu.enqueue_dma source(%arg7 : memref<1024xf32, #tpu.memory_space<vmem>>) target(%dma_start3A_522 : memref<1024xf32, #tpu.memory_space<hbm>>) target_semaphore(%run_scoped3A : memref<!tpu.dma_semaphore, #tpu.memory_space<semaphore_mem>>)
      %dma_wait3A = arith.constant 0 : i32
      %dma_wait3A_523 = tpu.memref_slice %arg4[%add3A_325, %dma_wait3A] : memref<64x1024xf32, #tpu.memory_space<hbm>> -> memref<1x1024xf32, #tpu.memory_space<hbm>>
      %dma_wait3A_524 = tpu.memref_squeeze %dma_wait3A_523 : memref<1x1024xf32, #tpu.memory_space<hbm>> -> memref<1024xf32, #tpu.memory_space<hbm>>
      %dma_wait3A_525 = arith.constant 0 : i32
      %dma_wait3A_526 = tpu.memref_slice %arg4[%add3A_325, %dma_wait3A_525] : memref<64x1024xf32, #tpu.memory_space<hbm>> -> memref<1x1024xf32, #tpu.memory_space<hbm>>
      %dma_wait3A_527 = tpu.memref_squeeze %dma_wait3A_526 : memref<1x1024xf32, #tpu.memory_space<hbm>> -> memref<1024xf32, #tpu.memory_space<hbm>>
      tpu.wait_dma2 semaphore(%run_scoped3A : memref<!tpu.dma_semaphore, #tpu.memory_space<semaphore_mem>>) src(%arg7 : memref<1024xf32, #tpu.memory_space<vmem>>) dst(%dma_wait3A_527 : memref<1024xf32, #tpu.memory_space<hbm>>)
      tpu.yield
    }) : () -> ()
    return
  }
}

module attributes {stable_mosaic.version = 14 : i64} {
  func.func @_proj_body(%arg0: i32, %arg1: memref<64x3072xf32, #tpu.memory_space<vmem>>, %arg2: memref<3072xf32, #tpu.memory_space<vmem>>, %arg3: memref<64x1024xf32, #tpu.memory_space<vmem>>, %arg4: memref<3072x1024xf32, #tpu.memory_space<vmem>>) attributes {dimension_semantics = [#tpu.dimension_semantics<arbitrary>], iteration_bounds = array<i64: 33>, scalar_prefetch = 0 : i64, scratch_operands = 0 : i64, tpu.core_type = #tpu.core_type<tc>, window_params = [{transform_indices = @transform_0, window_bounds = array<i64: 64, 3072>}, {transform_indices = @transform_1, window_bounds = array<i64: 3072>}, {pipeline_mode = #tpu.pipeline_mode<synchronous>, transform_indices = @transform_2, window_bounds = array<i64: 64, 1024>}, {transform_indices = @transform_3, window_bounds = array<i64: 3072, 1024>}]} {
    %get3A = arith.constant 0 : index
    %get3A_0 = vector.load %arg2[%get3A] : memref<3072xf32, #tpu.memory_space<vmem>>, vector<3072xf32>
    %reshape3A = vector.shape_cast %get3A_0 : vector<3072xf32> to vector<1x3072xf32>
    %get3A_1 = arith.constant 0 : index
    %get3A_2 = arith.constant 0 : index
    %get3A_3 = vector.load %arg1[%get3A_1, %get3A_2] : memref<64x3072xf32, #tpu.memory_space<vmem>>, vector<64x3072xf32>
    %concatenate3A = tpu.concatenate %get3A_3, %reshape3A in 0 : vector<64x3072xf32>, vector<1x3072xf32> -> vector<65x3072xf32>
    %get3A_4 = arith.constant 0 : index
    %get3A_5 = arith.constant 0 : index
    %get3A_6 = vector.load %arg3[%get3A_4, %get3A_5] : memref<64x1024xf32, #tpu.memory_space<vmem>>, vector<64x1024xf32>
    %broadcast_in_dim3A = arith.constant 1.000000e+00 : f32
    %broadcast_in_dim3A_7 = vector.broadcast %broadcast_in_dim3A : f32 to vector<1x1024xf32>
    %concatenate3A_8 = tpu.concatenate %get3A_6, %broadcast_in_dim3A_7 in 0 : vector<64x1024xf32>, vector<1x1024xf32> -> vector<65x1024xf32>
    %dot_general3A = arith.constant dense<0.000000e+00> : vector<3072x1024xf32>
    %dot_general3A_9 = tpu.matmul %concatenate3A, %concatenate3A_8, %dot_general3A {dimension_numbers = #tpu.dot_dimension_numbers<[0], [0], [1], [1], [0, 1, 1, 1], [], []>, transpose_lhs_hint = false} : vector<65x3072xf32>, vector<65x1024xf32>, vector<3072x1024xf32> -> vector<3072x1024xf32>
    %swap3A = arith.constant 0 : index
    %swap3A_10 = arith.constant 0 : index
    %swap3A_11 = vector.load %arg4[%swap3A, %swap3A_10] : memref<3072x1024xf32, #tpu.memory_space<vmem>>, vector<3072x1024xf32>
    tpu.vector_store %arg4[%swap3A, %swap3A_10], %dot_general3A_9 {strides = array<i32>} : memref<3072x1024xf32, #tpu.memory_space<vmem>>, vector<3072x1024xf32>,
    return
  }
  func.func @transform_0(%arg0: i32) -> (i32, i32) {
    %c0_i32 = arith.constant 0 : i32
    %c0_i32_0 = arith.constant 0 : i32
    return %c0_i32, %arg0 : i32, i32
  }
  func.func @transform_1(%arg0: i32) -> i32 {
    %c0_i32 = arith.constant 0 : i32
    return %arg0 : i32
  }
  func.func @transform_2(%arg0: i32) -> (i32, i32) {
    %c0_i32 = arith.constant 0 : i32
    %c0_i32_0 = arith.constant 0 : i32
    %c0_i32_1 = arith.constant 0 : i32
    return %c0_i32, %c0_i32_0 : i32, i32
  }
  func.func @transform_3(%arg0: i32) -> (i32, i32) {
    %c0_i32 = arith.constant 0 : i32
    %c0_i32_0 = arith.constant 0 : i32
    return %arg0, %c0_i32 : i32, i32
  }
}

</mosaic_0001>

<sc_bundles>
// kernel: kernel.4.cloned.1.call-start
scs
__scs_entry_jumppad:
0x0: {  	(pc) =	sbr.rel $0x88, $3  }
0x1: {  	(tag) =	ssettag $0x0;
	lr =	simm.s32 $0x1  }
0x2: {  	[smem:$0x3F9D] =	sst lr;
	_ =	strace $0xD0000000  }
0x3: {  	_ = 	snop  }
0x4: {  	_ = 	snop  }
0x5: {  	_ = 	snop  }
0x6: {  	_ = 	snop  }
0x7: {  	_ = 	snop  }
__scs_overlays_trampoline_lowered:
0x8: {  	[smem:$0x3FAC] =	sst s0  }
0x9: {  	[smem:$0x3FAD] =	sst s1  }
0xa: {  	[smem:$0x3FAE] =	sst s2  }
0xb: {  	[smem:$0x3FAF] =	sst s3  }
0xc: {  	[smem:$0x3FB0] =	sst s4  }
0xd: {  	[smem:$0x3FB1] =	sst s5  }
0xe: {  	[smem:$0x3FB2] =	sst s6  }
0xf: {  	[smem:$0x3FB3] =	sst s7  }
0x10: {  	[smem:$0x3FB4] =	sst s8  }
0x11: {  	[smem:$0x3FB5] =	sst s9;
	s0 =	simm.s32 @!p0 $0x0  }
0x12: {  	s1 =	sld [smem:$0x3F9B];
	s0 =	simm.s32 @p0 $0x1  }
0x13: {  	[smem:$0x3FB6] =	sst s0;
	s0 =	simm.s32 @!p1 $0x0  }
0x14: {  	s2 =	sld [smem:$0x3F9A];
	s0 =	simm.s32 @p1 $0x1  }
0x15: {  	[smem:$0x3FB7] =	sst s0;
	s0 =	simm.s32 @!p2 $0x0  }
0x16: {  	s3 =	sld [smem:$0x3FDB];
	s0 =	simm.s32 @p2 $0x1  }
0x17: {  	s4 =	simm.s32 $0x1BF5;
	[smem:$0x3FB9] =	sst s0  }
0x18: {  	s0 =	sld [smem:$0x3F9C];
	_ =	swait.ge [sflag:s4], $0x0  }
0x19: {  	s7 =	sld [smem:$0x3F9D]  }
0x1a: {  	s8 =	sadd.s32 $0xFFFFE003, lr  }
0x1b: {  	s9 =	sadd.s32 $0xFFFFFEF7, lr;
	s5 =	simm.s32 $0xFFFFFFFF;
	p2 =	slt.u32 s8, $0xFFFFF086  }
0x1c: {  	p1 =	slt.u32 s9, $0xF7A;
	s5 =	simm.s32 @!p2 $0x0  }
0x1d: {  	s5 =	simm.s32 @p1 $0x1;
	p0 =	seq.s32 s7, s2  }
0x1e: {  	s7 =	smul.u32 @!p0 $0xF7A, s2;
	p2 =	seq.s32 @!p0 s5, $0x0  }
0x1f: {  	s9 =	smul.u32 $0xF7A, s1;
	s8 =	simm.s32 @!p0 $0x1BF5;
	p2 =	por !p2, p0  }
0x20: {  	[sflag:s8] =	ssyncset.s32 @!p0 $0xFFFFF086;
	s6 =	sadd.s32 @!p0 s3, s7;
	s7 =	simm.s32 @!p0 $0x108  }
0x21: {  	s3 =	sadd.s32 s3, s9;
	s6 =	sadd.s32 @!p0 $0x88, s6;
	s7 =	simm.s32 @p2 $0x1082  }
0x22: {  	[simem:s7], [sflag:s8] =	dma.local @!p0 [hbm:s6], $0xF7A  }
0x23: {  	s9 =	sor.u32 $0xD0000000, s2;
	s6 =	simm.s32 $0x108;
	_ =	swait.ge @!p0 [sflag:s8], $0x0  }
0x24: {  	s3 =	sadd.s32 $0x88, s3;
	s6 =	simm.s32 @!p1 $0x1082;
	[sflag:s4] =	ssyncset.s32 $0xFFFFF086  }
0x25: {  	[simem:s6], [sflag:s4] =	dma.local [hbm:s3], $0xF7A  }
0x26: {  	[smem:$0x3F9D] =	sst s1;
	(tag) =	ssettag s2;
	_ =	strace s9  }
0x27: {  	s1 =	sld [smem:$0x3FAD]  }
0x28: {  	s2 =	sld [smem:$0x3FAE]  }
0x29: {  	s4 =	sld [smem:$0x3FB0]  }
0x2a: {  	p0 =	seq.s32 s5, $0x0;
	s5 =	sld [smem:$0x3FB1]  }
0x2b: {  	s6 =	sld [smem:$0x3FB2]  }
0x2c: {  	s7 =	sld [smem:$0x3FB3]  }
0x2d: {  	s3 =	simm.s32 $0x108;
	s8 =	sld [smem:$0x3FB4]  }
0x2e: {  	s3 =	simm.s32 @!p0 $0x1082;
	s9 =	sld [smem:$0x3FB5]  }
0x2f: {  	lr =	sadd.s32 s0, s3;
	s0 =	sld [smem:$0x3FAC]  }
0x30: {  	s3 =	sld [smem:$0x3FAF]  }
0x31: {  	[smem:$0x3FB8] =	sst s10  }
0x32: {  	s10 =	sld [smem:$0x3FB6];
	_ =	sdelay $0x3  }
0x33: {  	p0 =	seq.s32 s10, $0x1;
	s10 =	sld [smem:$0x3FB8];
	_ =	sdelay $0x3  }
0x34: {  	[smem:$0x3FB8] =	sst s10  }
0x35: {  	s10 =	sld [smem:$0x3FB7];
	_ =	sdelay $0x3  }
0x36: {  	p1 =	seq.s32 s10, $0x1;
	s10 =	sld [smem:$0x3FB8];
	_ =	sdelay $0x3  }
0x37: {  	[smem:$0x3FB8] =	sst s10  }
0x38: {  	s10 =	sld [smem:$0x3FB9]  }
0x39: {  	_ = 	snop;
	(pc) =	sbr.ind lr, $3  }
0x3a: {  	_ = 	snop  }
0x3b: {  	_ = 	snop  }
0x3c: {  	p2 =	seq.s32 s10, $0x1;
	s10 =	sld [smem:$0x3FB8]  }
0x3d: {  	_ =	shalt  }
0x3e: {  	_ =	shalt  }
0x3f: {  	_ =	shalt  }
0x40: {  	_ =	shalt  }
0x41: {  	_ =	shalt  }
0x42: {  	_ =	shalt  }
0x43: {  	_ =	shalt  }
0x44: {  	_ =	shalt  }
0x45: {  	_ =	shalt  }
0x46: {  	_ =	shalt  }
0x47: {  	_ =	shalt  }
0x48: {  	_ =	shalt  }
0x49: {  	_ =	shalt  }
0x4a: {  	_ =	shalt  }
0x4b: {  	_ =	shalt  }
0x4c: {  	_ =	shalt  }
0x4d: {  	_ =	shalt  }
0x4e: {  	_ =	shalt  }
0x4f: {  	_ =	shalt  }
0x50: {  	_ =	shalt  }
0x51: {  	_ =	shalt  }
0x52: {  	_ =	shalt  }
0x53: {  	_ =	shalt  }
0x54: {  	_ =	shalt  }
0x55: {  	_ =	shalt  }
0x56: {  	_ =	shalt  }
0x57: {  	_ =	shalt  }
0x58: {  	_ =	shalt  }
0x59: {  	_ =	shalt  }
0x5a: {  	_ =	shalt  }
0x5b: {  	_ =	shalt  }
0x5c: {  	_ =	shalt  }
0x5d: {  	_ =	shalt  }
0x5e: {  	_ =	shalt  }
0x5f: {  	_ =	shalt  }
0x60: {  	_ =	shalt  }
0x61: {  	_ =	shalt  }
0x62: {  	_ =	shalt  }
0x63: {  	_ =	shalt  }
0x64: {  	_ =	shalt  }
0x65: {  	_ =	shalt  }
0x66: {  	_ =	shalt  }
0x67: {  	_ =	shalt  }
0x68: {  	_ =	shalt  }
0x69: {  	_ =	shalt  }
0x6a: {  	_ =	shalt  }
0x6b: {  	_ =	shalt  }
0x6c: {  	_ =	shalt  }
0x6d: {  	_ =	shalt  }
0x6e: {  	_ =	shalt  }
0x6f: {  	_ =	shalt  }
0x70: {  	_ =	shalt  }
0x71: {  	_ =	shalt  }
0x72: {  	_ =	shalt  }
0x73: {  	_ =	shalt  }
0x74: {  	_ =	shalt  }
0x75: {  	_ =	shalt  }
0x76: {  	_ =	shalt  }
0x77: {  	_ =	shalt  }
0x78: {  	_ =	shalt  }
0x79: {  	_ =	shalt  }
0x7a: {  	_ =	shalt  }
0x7b: {  	_ =	shalt  }
0x7c: {  	_ =	shalt  }
0x7d: {  	_ =	shalt  }
0x7e: {  	_ =	shalt  }
0x7f: {  	_ =	shalt  }
0x80: {  	_ =	shalt  }
0x81: {  	_ =	shalt  }
0x82: {  	_ =	shalt  }
0x83: {  	_ =	shalt  }
0x84: {  	_ =	shalt  }
0x85: {  	_ =	shalt  }
0x86: {  	_ =	shalt  }
0x87: {  	_ =	shalt  }
.Lfunc_end0:
.L_simem_size_0:
called_computation_lowered:
.L_overlay_start_0:
0x88: {  	s2 =	sld [smem:$0x3FD9]  }
0x89: {  	s3 =	sld [smem:$0x3FFE];
	_ =	sdelay $0x1  }
0x8a: {  	s1 =	srdreg.scid  }
0x8b: {  	s0 =	sand.u32 $0x1, s1  }
0x8c: {  	s18 =	sshll.u32 s0, $0xA;
	s2 =	sadd.s32 s3, s2  }
0x8d: {  	s2 =	sadd.s32 s2, s18  }
0x8e: {  	[smem:$0x3FC4] =	sst s2  }
0x8f: {  	_ = 	snop  }
0x90: {  	s2 =	sld [smem:$0x3FC9]  }
0x91: {  	s19 =	sld [smem:$0x3FC8]  }
0x92: {  	s4 =	sld [smem:$0x3FD0];
	(tm) =	ssettm $0x1  }
0x93: {  	s5 =	sld [smem:$0x3FFB];
	_ =	sdelay $0x3  }
0x94: {  	_ =	strace s5  }
0x95: {  	s5 =	sld [smem:$0x3FFC];
	_ =	sdelay $0x3  }
0x96: {  	_ =	strace s5  }
0x97: {  	s5 =	sld [smem:$0x3FFD];
	_ =	sdelay $0x3  }
0x98: {  	_ =	strace s5  }
0x99: {  	_ =	strace $0x8FFFFFFF  }
0x9a: {  	s20 =	sld [smem:$0x3FDB];
	_ =	sdelay $0x1  }
0x9b: {  	s6 =	simm.s32 $_scs_section_size  }
0x9c: {  	s7 =	simm.s32 $_size__tile_overlayer_lowered;
	s8 =	simm.s32 $_tile_overlayer_lowered  }
0x9d: {  	s23 =	simm.s32 $0x1BFF;
	s22 =	sshll.u32 s8, $0x1;
	s5 =	sadd.s32 s6, s20  }
0x9e: {  	s9 =	simm.s32 $0x0;
	s21 =	sshll.u32 s7, $0x1;
	s7 =	sadd.s32 s22, s5  }
0x9f: {  	[timem:s9], [sflag:s23] =	dma.local [hbm:s7], s21  }
0xa0: {  	_ =	swait.ge [sflag:s23], s21  }
0xa1: {  	s6 =	ssub.s32 $0x0, s21;
	[sflag:s23] =	ssyncset.done $0x0  }
0xa2: {  	[sflag:s23] =	ssyncadd.s32 s6;
	_ =	sdelay $0x1  }
0xa3: {  	s24 =	simm.s32 $0x1B8B  }
0xa4: {  	_ =	swait.ge [sflag:s24], $0x1  }
0xa5: {  	[sflag:s24] =	ssyncset.done $0x0  }
0xa6: {  	s25 =	simm.s32 $0x1B8E;
	[sflag:s24] =	ssyncadd.s32 $0xFFFFFFFF  }
0xa7: {  	s26 =	simm.s32 $execute0_lowered;
	[smem:$0x3FD2] =	sst s25  }
0xa8: {  	s6 =	sshll.u32 s26, $0x1;
	_ =	strace $0x80000046;
	[dreg:$0x1] =	wrdreg $0xFFFFFFFF  }
0xa9: {  	s28 =	simm.s32 $_size_execute0_lowered;
	s5 =	sadd.s32 s5, s6;
	[dreg:$0x0] =	wrdreg $0x0  }
0xaa: {  	s6 =	sshll.u32 s28, $0x1;
	[dreg:$0x2] =	wrdreg s5  }
0xab: {  	[dreg:$0x3] =	wrdreg s6  }
0xac: {  	[dreg:$0x4] =	wrdreg $0xC0  }
0xad: {  	_ =	task [dreg:s9], $0x5FFFF  }
0xae: {  	[dreg:$0x1] =	wrdreg $0xFFFFFFFF  }
0xaf: {  	[dreg:$0x0] =	wrdreg $0x60  }
0xb0: {  	[dreg:$0x2] =	wrdreg s19  }
0xb1: {  	[dreg:$0x3] =	wrdreg s2  }
0xb2: {  	[dreg:$0x4] =	wrdreg s4  }
0xb3: {  	[dreg:$0x5] =	wrdreg $0x9  }
0xb4: {  	_ =	task.clear_ibuf [dreg:s9], $0x6FFFF;
	_ =	strace $0x90000046  }
0xb5: {  	s29 =	simm.s32 $0x9;
	_ =	strace $0x80000048  }
0xb6: {  	_ =	swait.ge [sflag:s29], $0x1  }
0xb7: {  	[sflag:s29] =	ssyncadd.s32 $0xFFFFFFFF  }
0xb8: {  	_ =	strace $0x90000048  }
0xb9: {  	_ =	sfence  }
0xba: {  	s30 =	sld [smem:$0x0];
	_ =	sdelay $0x2  }
0xbb: {  	s31 =	sshll.u32 s1, $0xD;
	s1 =	sshrl.u32 s1, $0x2  }
0xbc: {  	s3 =	sand.u32 $0x4000, s31;
	s1 =	sadd.s32 s1, s30  }
0xbd: {  	s0 =	sor.u32 s3, s0;
	s1 =	sshll.u32 s1, $0x11  }
0xbe: {  	s0 =	sor.u32 s1, s0  }
0xbf: {  	s0 =	sadd.s32 $0x8F2B, s0  }
0xc0: {  	[sflag:s0] =	ssyncadd.remote.s32 $0x1  }
0xc1: {  	_ =	sfence.sel $0xFFFF  }
0xc2: {  	[dreg:$0x0] =	wrdreg $0xFFFFFFFF;
	(pc) =	sbr.abs _section_cstart, $3  }
0xc3: {  	[dreg:$0x1] =	wrdreg $0xFFFFFFFF  }
0xc4: {  	_ =	task.clear_ibuf [dreg:s9], $0x2FFFF;
	_ =	strace $0x9FFFFFFF  }
0xc5: {  	(tm) =	ssettm $0x7FFFFFFF  }
tec
execute0_lowered:
.L_overlay_start_1:
0x0: {  	(tag) =	ssettag $0x1  }
0x1: {  	s6 =	rddreg [dreg:$0x0]  }
0x2: {  	s1 =	rddreg [dreg:$0x1]  }
0x3: {  	s7 =	rddreg [dreg:$0x2]  }
0x4: {  	s0 =	rddreg [dreg:$0x3];
	s4 =	srdreg.scid  }
0x5: {  	s3 =	simm.s32 $0x0;
	s2 =	stileid.u32;
	s12 =	simm.s32 $0x18B00  }
0x6: {  	s4 =	sand.u32 $0x1, s4;
	s8 =	sshll.u32 s2, $0x9;
	s9 =	sshrl.u32 s2, $0x1  }
0x7: {  	[smem:$0x7FF] =	sst s3;
	s5 =	ssub.s32 $0x2, s4;
	s4 =	sshll.u32 s4, $0x8  }
0x8: {  	s10 =	smul.u32 $0xC3800, s9;
	s8 =	sand.u32 $0x200, s8;
	_ =	strace $0x80000047  }
0x9: {  	s29 =	sshll.u32 s9, $0xD;
	s11 =	sshrl.u32 s5, $0x1;
	s8 =	sor.u32 s4, s8  }
0xa: {  	s11 =	ssub.s32 s5, s11;
	s4 =	sor.u32 s10, s8;
	s30 =	sor.u32 $0x80, s8  }
0xb: {  	s8 =	sor.u32 s29, s8;
	s4 =	sshrl.u32 s4, $0x3;
	s10 =	sor.u32 s10, s30  }
0xc: {  	s8 =	sshrl.u32 s8, $0x3;
	s9 =	sor.u32 s29, s30;
	s4 =	sadd.s32 s6, s4  }
0xd: {  	s10 =	sshrl.u32 s10, $0x3;
	s5 =	sadd.s32 s7, s8;
	s31 =	sshrl.u32 s9, $0x3  }
0xe: {  	s8 =	smax.u32 s11, $0x1;
	s9 =	simm.s32 $0x1;
	s11 =	simm.s32 $0x400  }
0xf: {  	s6 =	sadd.s32 s6, s10;
	s7 =	sadd.s32 s7, s31;
	s10 =	simm.s32 $0x80  }
.LBB2_1:
0x10: {  	[tilespmem:s3], [sflag:$0x1] =	stream.linear.gather [hbm4b:s1+s3], $0x400, $0x38;
	[tilespmem:$0x18F00] =	vst v63  }
0x11: {  	_ =	swait.ge [sflag:s9], $0x400  }
0x12: {  	[sflag:s9] =	ssyncset.done $0x0  }
0x13: {  	[sflag:s9] =	ssyncadd.s32 $0xFFFFFC00  }
0x14: {  	v1 =	vld [tilespmem:$0x0]  }
0x15: {  	v2 =	vld [tilespmem:$0x10]  }
0x16: {  	v3 =	vld [tilespmem:$0x20]  }
0x17: {  	v4 =	vld [tilespmem:$0x30]  }
0x18: {  	v5 =	vld [tilespmem:$0x40]  }
0x19: {  	v6 =	vld [tilespmem:$0x50]  }
0x1a: {  	v7 =	vld [tilespmem:$0x60]  }
0x1b: {  	v8 =	vld [tilespmem:$0x70]  }
0x1c: {  	v9 =	vld [tilespmem:$0x80]  }
0x1d: {  	v10 =	vld [tilespmem:$0x90]  }
0x1e: {  	v11 =	vld [tilespmem:$0xA0]  }
0x1f: {  	v53 =	vld [tilespmem:$0xB0]  }
0x20: {  	v52 =	vld [tilespmem:$0xC0]  }
0x21: {  	v51 =	vld [tilespmem:$0xD0]  }
0x22: {  	v50 =	vld [tilespmem:$0xE0]  }
0x23: {  	v49 =	vld [tilespmem:$0xF0]  }
0x24: {  	v48 =	vld [tilespmem:$0x100]  }
0x25: {  	v47 =	vld [tilespmem:$0x110]  }
0x26: {  	v46 =	vld [tilespmem:$0x120]  }
0x27: {  	v45 =	vld [tilespmem:$0x130]  }
0x28: {  	v44 =	vld [tilespmem:$0x140]  }
0x29: {  	v43 =	vld [tilespmem:$0x150]  }
0x2a: {  	v42 =	vld [tilespmem:$0x160]  }
0x2b: {  	v41 =	vld [tilespmem:$0x170]  }
0x2c: {  	v40 =	vld [tilespmem:$0x180]  }
0x2d: {  	v39 =	vld [tilespmem:$0x190]  }
0x2e: {  	v38 =	vld [tilespmem:$0x1A0]  }
0x2f: {  	v37 =	vld [tilespmem:$0x1B0]  }
0x30: {  	v36 =	vld [tilespmem:$0x1C0]  }
0x31: {  	v35 =	vld [tilespmem:$0x1D0]  }
0x32: {  	v34 =	vld [tilespmem:$0x1E0]  }
0x33: {  	v33 =	vld [tilespmem:$0x1F0]  }
0x34: {  	v32 =	vld [tilespmem:$0x200]  }
0x35: {  	v31 =	vld [tilespmem:$0x210]  }
0x36: {  	v30 =	vld [tilespmem:$0x220]  }
0x37: {  	v29 =	vld [tilespmem:$0x230]  }
0x38: {  	v28 =	vld [tilespmem:$0x240]  }
0x39: {  	v27 =	vld [tilespmem:$0x250]  }
0x3a: {  	v26 =	vld [tilespmem:$0x260]  }
0x3b: {  	v25 =	vld [tilespmem:$0x270]  }
0x3c: {  	v24 =	vld [tilespmem:$0x280]  }
0x3d: {  	v23 =	vld [tilespmem:$0x290]  }
0x3e: {  	v22 =	vld [tilespmem:$0x2A0]  }
0x3f: {  	v21 =	vld [tilespmem:$0x2B0]  }
0x40: {  	v20 =	vld [tilespmem:$0x2C0]  }
0x41: {  	v19 =	vld [tilespmem:$0x2D0]  }
0x42: {  	v18 =	vld [tilespmem:$0x2E0]  }
0x43: {  	v17 =	vld [tilespmem:$0x2F0]  }
0x44: {  	v16 =	vld [tilespmem:$0x300]  }
0x45: {  	v15 =	vld [tilespmem:$0x310]  }
0x46: {  	v14 =	vld [tilespmem:$0x320]  }
0x47: {  	v13 =	vld [tilespmem:$0x330]  }
0x48: {  	v12 =	vld [tilespmem:$0x340]  }
0x49: {  	v54 =	vld [tilespmem:$0x350]  }
0x4a: {  	v55 =	vld [tilespmem:$0x360]  }
0x4b: {  	v56 =	vld [tilespmem:$0x370]  }
0x4c: {  	v57 =	vld [tilespmem:$0x380]  }
0x4d: {  	v58 =	vld [tilespmem:$0x390]  }
0x4e: {  	v59 =	vld [tilespmem:$0x3A0]  }
0x4f: {  	v60 =	vld [tilespmem:$0x3B0]  }
0x50: {  	v61 =	vld [tilespmem:$0x3C0]  }
0x51: {  	v62 =	vld [tilespmem:$0x3D0]  }
0x52: {  	v63 =	vld [tilespmem:$0x3E0]  }
0x53: {  	v0 =	vld [tilespmem:$0x3F0];
	[tilespmem:s11], [sflag:$0x1] =	stream.strided.gather [hbm4b:s4+s10], $0x18700, s11, s10, $0x38  }
0x54: {  	[tilespmem:$0x1FF50] =	vst v1  }
0x55: {  	[tilespmem:$0x1FF60] =	vst v2  }
0x56: {  	[tilespmem:$0x1FF70] =	vst v3  }
0x57: {  	[tilespmem:$0x1FF80] =	vst v4  }
0x58: {  	[tilespmem:$0x1FF90] =	vst v5  }
0x59: {  	[tilespmem:$0x1FFA0] =	vst v6  }
0x5a: {  	[tilespmem:$0x1FFB0] =	vst v7  }
0x5b: {  	[tilespmem:$0x1FFC0] =	vst v8  }
0x5c: {  	[tilespmem:$0x1FFD0] =	vst v9  }
0x5d: {  	[tilespmem:$0x1FFE0] =	vst v10  }
0x5e: {  	[tilespmem:$0x1FFF0] =	vst v0  }
0x5f: {  	_ =	swait.ge [sflag:s9], $0x18700  }
0x60: {  	[sflag:s9] =	ssyncset.done $0x0  }
0x61: {  	[sflag:s9] =	ssyncadd.s32 $0xFFFE7900  }
0x62: {  	v0 =	vld.idx.msk [tilespmem:v1+s11+$0x0], $0xffff;
	_ =	sdelay $0x4  }
0x63: {  	[tilespmem:$0x18B00] =	vst v0  }
0x64: {  	v0 =	vld.idx.msk [tilespmem:v2+s11+$0x0], $0xffff;
	_ =	sdelay $0x4  }
0x65: {  	[tilespmem:$0x18B10] =	vst v0  }
0x66: {  	v0 =	vld.idx.msk [tilespmem:v3+s11+$0x0], $0xffff;
	_ =	sdelay $0x4  }
0x67: {  	[tilespmem:$0x18B20] =	vst v0  }
0x68: {  	v0 =	vld.idx.msk [tilespmem:v4+s11+$0x0], $0xffff;
	_ =	sdelay $0x4  }
0x69: {  	[tilespmem:$0x18B30] =	vst v0  }
0x6a: {  	v0 =	vld.idx.msk [tilespmem:v5+s11+$0x0], $0xffff;
	_ =	sdelay $0x4  }
0x6b: {  	[tilespmem:$0x18B40] =	vst v0  }
0x6c: {  	v0 =	vld.idx.msk [tilespmem:v6+s11+$0x0], $0xffff;
	_ =	sdelay $0x4  }
0x6d: {  	[tilespmem:$0x18B50] =	vst v0  }
0x6e: {  	v0 =	vld.idx.msk [tilespmem:v7+s11+$0x0], $0xffff;
	_ =	sdelay $0x4  }
0x6f: {  	[tilespmem:$0x18B60] =	vst v0  }
0x70: {  	v0 =	vld.idx.msk [tilespmem:v8+s11+$0x0], $0xffff;
	_ =	sdelay $0x4  }
0x71: {  	[tilespmem:$0x18B70] =	vst v0  }
0x72: {  	v0 =	vld.idx.msk [tilespmem:v9+s11+$0x0], $0xffff;
	_ =	sdelay $0x4  }
0x73: {  	[tilespmem:$0x18B80] =	vst v0  }
0x74: {  	v0 =	vld.idx.msk [tilespmem:v10+s11+$0x0], $0xffff;
	_ =	sdelay $0x4  }
0x75: {  	[tilespmem:$0x18B90] =	vst v0  }
0x76: {  	v0 =	vld.idx.msk [tilespmem:v11+s11+$0x0], $0xffff;
	_ =	sdelay $0x4  }
0x77: {  	[tilespmem:$0x18BA0] =	vst v0  }
0x78: {  	v0 =	vld.idx.msk [tilespmem:v53+s11+$0x0], $0xffff;
	_ =	sdelay $0x4  }
0x79: {  	[tilespmem:$0x18BB0] =	vst v0  }
0x7a: {  	v0 =	vld.idx.msk [tilespmem:v52+s11+$0x0], $0xffff;
	_ =	sdelay $0x4  }
0x7b: {  	[tilespmem:$0x18BC0] =	vst v0  }
0x7c: {  	v0 =	vld.idx.msk [tilespmem:v51+s11+$0x0], $0xffff;
	_ =	sdelay $0x4  }
0x7d: {  	[tilespmem:$0x18BD0] =	vst v0  }
0x7e: {  	v0 =	vld.idx.msk [tilespmem:v50+s11+$0x0], $0xffff;
	_ =	sdelay $0x4  }
0x7f: {  	[tilespmem:$0x18BE0] =	vst v0  }
0x80: {  	v0 =	vld.idx.msk [tilespmem:v49+s11+$0x0], $0xffff;
	_ =	sdelay $0x4  }
0x81: {  	[tilespmem:$0x18BF0] =	vst v0  }
0x82: {  	v0 =	vld.idx.msk [tilespmem:v48+s11+$0x0], $0xffff;
	_ =	sdelay $0x4  }
0x83: {  	[tilespmem:$0x18C00] =	vst v0  }
0x84: {  	v0 =	vld.idx.msk [tilespmem:v47+s11+$0x0], $0xffff;
	_ =	sdelay $0x4  }
0x85: {  	[tilespmem:$0x18C10] =	vst v0  }
0x86: {  	v0 =	vld.idx.msk [tilespmem:v46+s11+$0x0], $0xffff;
	_ =	sdelay $0x4  }
0x87: {  	[tilespmem:$0x18C20] =	vst v0  }
0x88: {  	v0 =	vld.idx.msk [tilespmem:v45+s11+$0x0], $0xffff;
	_ =	sdelay $0x4  }
0x89: {  	[tilespmem:$0x18C30] =	vst v0  }
0x8a: {  	v0 =	vld.idx.msk [tilespmem:v44+s11+$0x0], $0xffff;
	_ =	sdelay $0x4  }
0x8b: {  	[tilespmem:$0x18C40] =	vst v0  }
0x8c: {  	v0 =	vld.idx.msk [tilespmem:v43+s11+$0x0], $0xffff;
	_ =	sdelay $0x4  }
0x8d: {  	[tilespmem:$0x18C50] =	vst v0  }
0x8e: {  	v0 =	vld.idx.msk [tilespmem:v42+s11+$0x0], $0xffff;
	_ =	sdelay $0x4  }
0x8f: {  	[tilespmem:$0x18C60] =	vst v0  }
0x90: {  	v0 =	vld.idx.msk [tilespmem:v41+s11+$0x0], $0xffff;
	_ =	sdelay $0x4  }
0x91: {  	[tilespmem:$0x18C70] =	vst v0  }
0x92: {  	v0 =	vld.idx.msk [tilespmem:v40+s11+$0x0], $0xffff;
	_ =	sdelay $0x4  }
0x93: {  	[tilespmem:$0x18C80] =	vst v0  }
0x94: {  	v0 =	vld.idx.msk [tilespmem:v39+s11+$0x0], $0xffff;
	_ =	sdelay $0x4  }
0x95: {  	[tilespmem:$0x18C90] =	vst v0  }
0x96: {  	v0 =	vld.idx.msk [tilespmem:v38+s11+$0x0], $0xffff;
	_ =	sdelay $0x4  }
0x97: {  	[tilespmem:$0x18CA0] =	vst v0  }
0x98: {  	v0 =	vld.idx.msk [tilespmem:v37+s11+$0x0], $0xffff;
	_ =	sdelay $0x4  }
0x99: {  	[tilespmem:$0x18CB0] =	vst v0  }
0x9a: {  	v0 =	vld.idx.msk [tilespmem:v36+s11+$0x0], $0xffff;
	_ =	sdelay $0x4  }
0x9b: {  	[tilespmem:$0x18CC0] =	vst v0  }
0x9c: {  	v0 =	vld.idx.msk [tilespmem:v35+s11+$0x0], $0xffff;
	_ =	sdelay $0x4  }
0x9d: {  	[tilespmem:$0x18CD0] =	vst v0  }
0x9e: {  	v0 =	vld.idx.msk [tilespmem:v34+s11+$0x0], $0xffff;
	_ =	sdelay $0x4  }
0x9f: {  	[tilespmem:$0x18CE0] =	vst v0  }
0xa0: {  	v0 =	vld.idx.msk [tilespmem:v33+s11+$0x0], $0xffff;
	_ =	sdelay $0x4  }
0xa1: {  	[tilespmem:$0x18CF0] =	vst v0  }
0xa2: {  	v0 =	vld.idx.msk [tilespmem:v32+s11+$0x0], $0xffff;
	_ =	sdelay $0x4  }
0xa3: {  	[tilespmem:$0x18D00] =	vst v0  }
0xa4: {  	v0 =	vld.idx.msk [tilespmem:v31+s11+$0x0], $0xffff;
	_ =	sdelay $0x4  }
0xa5: {  	[tilespmem:$0x18D10] =	vst v0  }
0xa6: {  	v0 =	vld.idx.msk [tilespmem:v30+s11+$0x0], $0xffff;
	_ =	sdelay $0x4  }
0xa7: {  	[tilespmem:$0x18D20] =	vst v0  }
0xa8: {  	v0 =	vld.idx.msk [tilespmem:v29+s11+$0x0], $0xffff;
	_ =	sdelay $0x4  }
0xa9: {  	[tilespmem:$0x18D30] =	vst v0  }
0xaa: {  	v0 =	vld.idx.msk [tilespmem:v28+s11+$0x0], $0xffff;
	_ =	sdelay $0x4  }
0xab: {  	[tilespmem:$0x18D40] =	vst v0  }
0xac: {  	v0 =	vld.idx.msk [tilespmem:v27+s11+$0x0], $0xffff;
	_ =	sdelay $0x4  }
0xad: {  	[tilespmem:$0x18D50] =	vst v0  }
0xae: {  	v0 =	vld.idx.msk [tilespmem:v26+s11+$0x0], $0xffff;
	_ =	sdelay $0x4  }
0xaf: {  	[tilespmem:$0x18D60] =	vst v0  }
0xb0: {  	v0 =	vld.idx.msk [tilespmem:v25+s11+$0x0], $0xffff;
	_ =	sdelay $0x4  }
0xb1: {  	[tilespmem:$0x18D70] =	vst v0  }
0xb2: {  	v0 =	vld.idx.msk [tilespmem:v24+s11+$0x0], $0xffff;
	_ =	sdelay $0x4  }
0xb3: {  	[tilespmem:$0x18D80] =	vst v0  }
0xb4: {  	v0 =	vld.idx.msk [tilespmem:v23+s11+$0x0], $0xffff;
	_ =	sdelay $0x4  }
0xb5: {  	[tilespmem:$0x18D90] =	vst v0  }
0xb6: {  	v0 =	vld.idx.msk [tilespmem:v22+s11+$0x0], $0xffff;
	_ =	sdelay $0x4  }
0xb7: {  	[tilespmem:$0x18DA0] =	vst v0  }
0xb8: {  	v0 =	vld.idx.msk [tilespmem:v21+s11+$0x0], $0xffff;
	_ =	sdelay $0x4  }
0xb9: {  	[tilespmem:$0x18DB0] =	vst v0  }
0xba: {  	v0 =	vld.idx.msk [tilespmem:v20+s11+$0x0], $0xffff;
	_ =	sdelay $0x4  }
0xbb: {  	[tilespmem:$0x18DC0] =	vst v0  }
0xbc: {  	v0 =	vld.idx.msk [tilespmem:v19+s11+$0x0], $0xffff;
	_ =	sdelay $0x4  }
0xbd: {  	[tilespmem:$0x18DD0] =	vst v0  }
0xbe: {  	v0 =	vld.idx.msk [tilespmem:v18+s11+$0x0], $0xffff;
	_ =	sdelay $0x4  }
0xbf: {  	[tilespmem:$0x18DE0] =	vst v0  }
0xc0: {  	v0 =	vld.idx.msk [tilespmem:v17+s11+$0x0], $0xffff;
	_ =	sdelay $0x4  }
0xc1: {  	[tilespmem:$0x18DF0] =	vst v0  }
0xc2: {  	v0 =	vld.idx.msk [tilespmem:v16+s11+$0x0], $0xffff;
	_ =	sdelay $0x4  }
0xc3: {  	[tilespmem:$0x18E00] =	vst v0  }
0xc4: {  	v0 =	vld.idx.msk [tilespmem:v15+s11+$0x0], $0xffff;
	_ =	sdelay $0x4  }
0xc5: {  	[tilespmem:$0x18E10] =	vst v0  }
0xc6: {  	v0 =	vld.idx.msk [tilespmem:v14+s11+$0x0], $0xffff;
	_ =	sdelay $0x4  }
0xc7: {  	[tilespmem:$0x18E20] =	vst v0  }
0xc8: {  	v0 =	vld.idx.msk [tilespmem:v13+s11+$0x0], $0xffff;
	_ =	sdelay $0x4  }
0xc9: {  	[tilespmem:$0x18E30] =	vst v0  }
0xca: {  	v0 =	vld.idx.msk [tilespmem:v12+s11+$0x0], $0xffff;
	_ =	sdelay $0x4  }
0xcb: {  	[tilespmem:$0x18E40] =	vst v0  }
0xcc: {  	v0 =	vld.idx.msk [tilespmem:v54+s11+$0x0], $0xffff;
	_ =	sdelay $0x4  }
0xcd: {  	[tilespmem:$0x18E50] =	vst v0  }
0xce: {  	v0 =	vld.idx.msk [tilespmem:v55+s11+$0x0], $0xffff;
	_ =	sdelay $0x4  }
0xcf: {  	[tilespmem:$0x18E60] =	vst v0  }
0xd0: {  	v0 =	vld.idx.msk [tilespmem:v56+s11+$0x0], $0xffff;
	_ =	sdelay $0x4  }
0xd1: {  	[tilespmem:$0x18E70] =	vst v0  }
0xd2: {  	v0 =	vld.idx.msk [tilespmem:v57+s11+$0x0], $0xffff;
	_ =	sdelay $0x4  }
0xd3: {  	[tilespmem:$0x18E80] =	vst v0  }
0xd4: {  	v0 =	vld.idx.msk [tilespmem:v58+s11+$0x0], $0xffff;
	_ =	sdelay $0x4  }
0xd5: {  	[tilespmem:$0x18E90] =	vst v0  }
0xd6: {  	v0 =	vld.idx.msk [tilespmem:v59+s11+$0x0], $0xffff;
	_ =	sdelay $0x4  }
0xd7: {  	[tilespmem:$0x18EA0] =	vst v0  }
0xd8: {  	v0 =	vld.idx.msk [tilespmem:v60+s11+$0x0], $0xffff;
	_ =	sdelay $0x4  }
0xd9: {  	[tilespmem:$0x18EB0] =	vst v0  }
0xda: {  	v0 =	vld.idx.msk [tilespmem:v61+s11+$0x0], $0xffff;
	_ =	sdelay $0x4  }
0xdb: {  	[tilespmem:$0x18EC0] =	vst v0  }
0xdc: {  	v0 =	vld.idx.msk [tilespmem:v62+s11+$0x0], $0xffff;
	_ =	sdelay $0x3  }
0xdd: {  	v7 =	vld [tilespmem:$0x1FFF0]  }
0xde: {  	[tilespmem:$0x18ED0] =	vst v0  }
0xdf: {  	v0 =	vld.idx.msk [tilespmem:v63+s11+$0x0], $0xffff;
	_ =	sdelay $0x4  }
0xe0: {  	[tilespmem:$0x18EE0] =	vst v0  }
0xe1: {  	v0 =	vld.idx.msk [tilespmem:v7+s11+$0x0], $0xffff;
	_ =	sdelay $0x4  }
0xe2: {  	[tilespmem:$0x18EF0] =	vst v0  }
0xe3: {  	[hbm4b:s5+s10] =	stream.strided.scatter [tilespmem:s12], [sflag:$0x1], $0x400, s11, s10, $0x38;
	[tilespmem:$0x18F00] =	vst v63  }
0xe4: {  	_ =	swait.ge [sflag:s9], $0x400  }
0xe5: {  	[sflag:s9] =	ssyncset.done $0x0  }
0xe6: {  	[sflag:s9] =	ssyncadd.s32 $0xFFFFFC00  }
0xe7: {  	[tilespmem:s11], [sflag:$0x1] =	stream.strided.gather [hbm4b:s6+s10], $0x18700, s11, s10, $0x38;
	[tilespmem:$0x18F00] =	vst v63  }
0xe8: {  	_ =	swait.ge [sflag:s9], $0x18700  }
0xe9: {  	v8 =	vld [tilespmem:$0x1FF50];
	_ =	sdelay $0x5  }
0xea: {  	[sflag:s9] =	ssyncset.done $0x0;
	v9 =	vld [tilespmem:$0x1FF60]  }
0xeb: {  	[sflag:s9] =	ssyncadd.s32 $0xFFFE7900  }
0xec: {  	v0 =	vld.idx.msk [tilespmem:v8+s11+$0x0], $0xffff;
	_ =	sdelay $0x3  }
0xed: {  	v10 =	vld [tilespmem:$0x1FF70]  }
0xee: {  	[tilespmem:$0x18B00] =	vst v0  }
0xef: {  	v0 =	vld.idx.msk [tilespmem:v9+s11+$0x0], $0xffff;
	_ =	sdelay $0x3  }
0xf0: {  	v4 =	vld [tilespmem:$0x1FF80]  }
0xf1: {  	[tilespmem:$0x18B10] =	vst v0  }
0xf2: {  	v0 =	vld.idx.msk [tilespmem:v10+s11+$0x0], $0xffff;
	_ =	sdelay $0x3  }
0xf3: {  	v5 =	vld [tilespmem:$0x1FF90]  }
0xf4: {  	[tilespmem:$0x18B20] =	vst v0  }
0xf5: {  	v0 =	vld.idx.msk [tilespmem:v4+s11+$0x0], $0xffff;
	_ =	sdelay $0x3  }
0xf6: {  	v6 =	vld [tilespmem:$0x1FFA0]  }
0xf7: {  	[tilespmem:$0x18B30] =	vst v0  }
0xf8: {  	v0 =	vld.idx.msk [tilespmem:v5+s11+$0x0], $0xffff;
	_ =	sdelay $0x3  }
0xf9: {  	v7 =	vld [tilespmem:$0x1FFB0]  }
0xfa: {  	[tilespmem:$0x18B40] =	vst v0  }
0xfb: {  	v0 =	vld.idx.msk [tilespmem:v6+s11+$0x0], $0xffff;
	_ =	sdelay $0x3  }
0xfc: {  	v8 =	vld [tilespmem:$0x1FFC0]  }
0xfd: {  	[tilespmem:$0x18B50] =	vst v0  }
0xfe: {  	v0 =	vld.idx.msk [tilespmem:v7+s11+$0x0], $0xffff;
	_ =	sdelay $0x3  }
0xff: {  	v9 =	vld [tilespmem:$0x1FFD0]  }
0x100: {  	[tilespmem:$0x18B60] =	vst v0  }
0x101: {  	v0 =	vld.idx.msk [tilespmem:v8+s11+$0x0], $0xffff;
	_ =	sdelay $0x3  }
0x102: {  	v10 =	vld [tilespmem:$0x1FFE0]  }
0x103: {  	[tilespmem:$0x18B70] =	vst v0  }
0x104: {  	v0 =	vld.idx.msk [tilespmem:v9+s11+$0x0], $0xffff;
	_ =	sdelay $0x4  }
0x105: {  	[tilespmem:$0x18B80] =	vst v0  }
0x106: {  	v0 =	vld.idx.msk [tilespmem:v10+s11+$0x0], $0xffff;
	_ =	sdelay $0x4  }
0x107: {  	[tilespmem:$0x18B90] =	vst v0  }
0x108: {  	v0 =	vld.idx.msk [tilespmem:v11+s11+$0x0], $0xffff;
	_ =	sdelay $0x4  }
0x109: {  	[tilespmem:$0x18BA0] =	vst v0  }
0x10a: {  	v0 =	vld.idx.msk [tilespmem:v53+s11+$0x0], $0xffff;
	_ =	sdelay $0x4  }
0x10b: {  	[tilespmem:$0x18BB0] =	vst v0  }
0x10c: {  	v0 =	vld.idx.msk [tilespmem:v52+s11+$0x0], $0xffff;
	_ =	sdelay $0x4  }
0x10d: {  	[tilespmem:$0x18BC0] =	vst v0  }
0x10e: {  	v0 =	vld.idx.msk [tilespmem:v51+s11+$0x0], $0xffff;
	_ =	sdelay $0x4  }
0x10f: {  	[tilespmem:$0x18BD0] =	vst v0  }
0x110: {  	v0 =	vld.idx.msk [tilespmem:v50+s11+$0x0], $0xffff;
	_ =	sdelay $0x4  }
0x111: {  	[tilespmem:$0x18BE0] =	vst v0  }
0x112: {  	v0 =	vld.idx.msk [tilespmem:v49+s11+$0x0], $0xffff;
	_ =	sdelay $0x4  }
0x113: {  	[tilespmem:$0x18BF0] =	vst v0  }
0x114: {  	v0 =	vld.idx.msk [tilespmem:v48+s11+$0x0], $0xffff;
	_ =	sdelay $0x4  }
0x115: {  	[tilespmem:$0x18C00] =	vst v0  }
0x116: {  	v0 =	vld.idx.msk [tilespmem:v47+s11+$0x0], $0xffff;
	_ =	sdelay $0x4  }
0x117: {  	[tilespmem:$0x18C10] =	vst v0  }
0x118: {  	v0 =	vld.idx.msk [tilespmem:v46+s11+$0x0], $0xffff;
	_ =	sdelay $0x4  }
0x119: {  	[tilespmem:$0x18C20] =	vst v0  }
0x11a: {  	v0 =	vld.idx.msk [tilespmem:v45+s11+$0x0], $0xffff;
	_ =	sdelay $0x4  }
0x11b: {  	[tilespmem:$0x18C30] =	vst v0  }
0x11c: {  	v0 =	vld.idx.msk [tilespmem:v44+s11+$0x0], $0xffff;
	_ =	sdelay $0x4  }
0x11d: {  	[tilespmem:$0x18C40] =	vst v0  }
0x11e: {  	v0 =	vld.idx.msk [tilespmem:v43+s11+$0x0], $0xffff;
	_ =	sdelay $0x4  }
0x11f: {  	[tilespmem:$0x18C50] =	vst v0  }
0x120: {  	v0 =	vld.idx.msk [tilespmem:v42+s11+$0x0], $0xffff;
	_ =	sdelay $0x4  }
0x121: {  	[tilespmem:$0x18C60] =	vst v0  }
0x122: {  	v0 =	vld.idx.msk [tilespmem:v41+s11+$0x0], $0xffff;
	_ =	sdelay $0x4  }
0x123: {  	[tilespmem:$0x18C70] =	vst v0  }
0x124: {  	v0 =	vld.idx.msk [tilespmem:v40+s11+$0x0], $0xffff;
	_ =	sdelay $0x4  }
0x125: {  	[tilespmem:$0x18C80] =	vst v0  }
0x126: {  	v0 =	vld.idx.msk [tilespmem:v39+s11+$0x0], $0xffff;
	_ =	sdelay $0x4  }
0x127: {  	[tilespmem:$0x18C90] =	vst v0  }
0x128: {  	v0 =	vld.idx.msk [tilespmem:v38+s11+$0x0], $0xffff;
	_ =	sdelay $0x4  }
0x129: {  	[tilespmem:$0x18CA0] =	vst v0  }
0x12a: {  	v0 =	vld.idx.msk [tilespmem:v37+s11+$0x0], $0xffff;
	_ =	sdelay $0x4  }
0x12b: {  	[tilespmem:$0x18CB0] =	vst v0  }
0x12c: {  	v0 =	vld.idx.msk [tilespmem:v36+s11+$0x0], $0xffff;
	_ =	sdelay $0x4  }
0x12d: {  	[tilespmem:$0x18CC0] =	vst v0  }
0x12e: {  	v0 =	vld.idx.msk [tilespmem:v35+s11+$0x0], $0xffff;
	_ =	sdelay $0x4  }
0x12f: {  	[tilespmem:$0x18CD0] =	vst v0  }
0x130: {  	v0 =	vld.idx.msk [tilespmem:v34+s11+$0x0], $0xffff;
	_ =	sdelay $0x4  }
0x131: {  	[tilespmem:$0x18CE0] =	vst v0  }
0x132: {  	v0 =	vld.idx.msk [tilespmem:v33+s11+$0x0], $0xffff;
	_ =	sdelay $0x4  }
0x133: {  	[tilespmem:$0x18CF0] =	vst v0  }
0x134: {  	v0 =	vld.idx.msk [tilespmem:v32+s11+$0x0], $0xffff;
	_ =	sdelay $0x4  }
0x135: {  	[tilespmem:$0x18D00] =	vst v0  }
0x136: {  	v0 =	vld.idx.msk [tilespmem:v31+s11+$0x0], $0xffff;
	_ =	sdelay $0x4  }
0x137: {  	[tilespmem:$0x18D10] =	vst v0  }
0x138: {  	v0 =	vld.idx.msk [tilespmem:v30+s11+$0x0], $0xffff;
	_ =	sdelay $0x4  }
0x139: {  	[tilespmem:$0x18D20] =	vst v0  }
0x13a: {  	v0 =	vld.idx.msk [tilespmem:v29+s11+$0x0], $0xffff;
	_ =	sdelay $0x4  }
0x13b: {  	[tilespmem:$0x18D30] =	vst v0  }
0x13c: {  	v0 =	vld.idx.msk [tilespmem:v28+s11+$0x0], $0xffff;
	_ =	sdelay $0x4  }
0x13d: {  	[tilespmem:$0x18D40] =	vst v0  }
0x13e: {  	v0 =	vld.idx.msk [tilespmem:v27+s11+$0x0], $0xffff;
	_ =	sdelay $0x4  }
0x13f: {  	[tilespmem:$0x18D50] =	vst v0  }
0x140: {  	v0 =	vld.idx.msk [tilespmem:v26+s11+$0x0], $0xffff;
	_ =	sdelay $0x4  }
0x141: {  	[tilespmem:$0x18D60] =	vst v0  }
0x142: {  	v0 =	vld.idx.msk [tilespmem:v25+s11+$0x0], $0xffff;
	_ =	sdelay $0x4  }
0x143: {  	[tilespmem:$0x18D70] =	vst v0  }
0x144: {  	v0 =	vld.idx.msk [tilespmem:v24+s11+$0x0], $0xffff;
	_ =	sdelay $0x4  }
0x145: {  	[tilespmem:$0x18D80] =	vst v0  }
0x146: {  	v0 =	vld.idx.msk [tilespmem:v23+s11+$0x0], $0xffff;
	_ =	sdelay $0x4  }
0x147: {  	[tilespmem:$0x18D90] =	vst v0  }
0x148: {  	v0 =	vld.idx.msk [tilespmem:v22+s11+$0x0], $0xffff;
	_ =	sdelay $0x4  }
0x149: {  	[tilespmem:$0x18DA0] =	vst v0  }
0x14a: {  	v0 =	vld.idx.msk [tilespmem:v21+s11+$0x0], $0xffff;
	_ =	sdelay $0x4  }
0x14b: {  	[tilespmem:$0x18DB0] =	vst v0  }
0x14c: {  	v0 =	vld.idx.msk [tilespmem:v20+s11+$0x0], $0xffff;
	_ =	sdelay $0x4  }
0x14d: {  	[tilespmem:$0x18DC0] =	vst v0  }
0x14e: {  	v0 =	vld.idx.msk [tilespmem:v19+s11+$0x0], $0xffff;
	_ =	sdelay $0x4  }
0x14f: {  	[tilespmem:$0x18DD0] =	vst v0  }
0x150: {  	v0 =	vld.idx.msk [tilespmem:v18+s11+$0x0], $0xffff;
	_ =	sdelay $0x4  }
0x151: {  	[tilespmem:$0x18DE0] =	vst v0  }
0x152: {  	v0 =	vld.idx.msk [tilespmem:v17+s11+$0x0], $0xffff;
	_ =	sdelay $0x4  }
0x153: {  	[tilespmem:$0x18DF0] =	vst v0  }
0x154: {  	v0 =	vld.idx.msk [tilespmem:v16+s11+$0x0], $0xffff;
	_ =	sdelay $0x4  }
0x155: {  	[tilespmem:$0x18E00] =	vst v0  }
0x156: {  	v0 =	vld.idx.msk [tilespmem:v15+s11+$0x0], $0xffff;
	_ =	sdelay $0x4  }
0x157: {  	[tilespmem:$0x18E10] =	vst v0  }
0x158: {  	v0 =	vld.idx.msk [tilespmem:v14+s11+$0x0], $0xffff;
	_ =	sdelay $0x4  }
0x159: {  	[tilespmem:$0x18E20] =	vst v0  }
0x15a: {  	v0 =	vld.idx.msk [tilespmem:v13+s11+$0x0], $0xffff;
	_ =	sdelay $0x4  }
0x15b: {  	[tilespmem:$0x18E30] =	vst v0  }
0x15c: {  	v0 =	vld.idx.msk [tilespmem:v12+s11+$0x0], $0xffff;
	_ =	sdelay $0x4  }
0x15d: {  	[tilespmem:$0x18E40] =	vst v0  }
0x15e: {  	v0 =	vld.idx.msk [tilespmem:v54+s11+$0x0], $0xffff;
	_ =	sdelay $0x4  }
0x15f: {  	[tilespmem:$0x18E50] =	vst v0  }
0x160: {  	v0 =	vld.idx.msk [tilespmem:v55+s11+$0x0], $0xffff;
	_ =	sdelay $0x4  }
0x161: {  	[tilespmem:$0x18E60] =	vst v0  }
0x162: {  	v0 =	vld.idx.msk [tilespmem:v56+s11+$0x0], $0xffff;
	_ =	sdelay $0x4  }
0x163: {  	[tilespmem:$0x18E70] =	vst v0  }
0x164: {  	v0 =	vld.idx.msk [tilespmem:v57+s11+$0x0], $0xffff;
	_ =	sdelay $0x4  }
0x165: {  	[tilespmem:$0x18E80] =	vst v0  }
0x166: {  	v0 =	vld.idx.msk [tilespmem:v58+s11+$0x0], $0xffff;
	_ =	sdelay $0x4  }
0x167: {  	[tilespmem:$0x18E90] =	vst v0  }
0x168: {  	v0 =	vld.idx.msk [tilespmem:v59+s11+$0x0], $0xffff;
	_ =	sdelay $0x4  }
0x169: {  	[tilespmem:$0x18EA0] =	vst v0  }
0x16a: {  	v0 =	vld.idx.msk [tilespmem:v60+s11+$0x0], $0xffff;
	_ =	sdelay $0x4  }
0x16b: {  	[tilespmem:$0x18EB0] =	vst v0  }
0x16c: {  	v0 =	vld.idx.msk [tilespmem:v61+s11+$0x0], $0xffff;
	_ =	sdelay $0x4  }
0x16d: {  	[tilespmem:$0x18EC0] =	vst v0  }
0x16e: {  	v0 =	vld.idx.msk [tilespmem:v62+s11+$0x0], $0xffff;
	_ =	sdelay $0x4  }
0x16f: {  	[tilespmem:$0x18ED0] =	vst v0  }
0x170: {  	v0 =	vld.idx.msk [tilespmem:v63+s11+$0x0], $0xffff  }
0x171: {  	v63 =	vld [tilespmem:$0x1FFF0];
	_ =	sdelay $0x6  }
0x172: {  	[tilespmem:$0x18EE0] =	vst v0  }
0x173: {  	v0 =	vld.idx.msk [tilespmem:v63+s11+$0x0], $0xffff;
	_ =	sdelay $0x3  }
0x174: {  	p0 =	sne.s32 s8, $0x1  }
.Ltmp0:
0x175: {  	[tilespmem:$0x18EF0] =	vst v0;
	(pc) =	sbr.rel @p0 .LBB2_1-.Ltmp0, $4  }
0x176: {  	[hbm4b:s7+s10] =	stream.strided.scatter [tilespmem:s12], [sflag:$0x1], $0x400, s11, s10, $0x38;
	[tilespmem:$0x18F00] =	vst v63  }
0x177: {  	_ =	swait.ge [sflag:s9], $0x400  }
0x178: {  	[sflag:s9] =	ssyncset.done $0x0  }
0x179: {  	s8 =	sadd.s32 $0xFFFFFFFF, s8;
	[sflag:s9] =	ssyncadd.s32 $0xFFFFFC00  }
0x17a: {  	_ =	sfence.sel $0x180000  }
0x17b: {  	[bflag:$0x0] =	sbarrier.arrive $0xFFFF  }
0x17c: {  	p0 =	sne.s32 s2, $0x0;
	_ =	strace $0x90000047  }
0x17d: {  	s0 =	sadd.s32 @!p0 $0x100000, s0;
	[bflag:$0x2] =	sbarrier.arrive $0xFFFF  }
0x17e: {  	[sflag:s0] =	ssyncadd.tile.s32 @!p0 $0x1;
	_ =	shalt  }
.Lfunc_end2:
_tile_overlayer_lowered:
.L_overlay_start_2:
0x17f: {  	(tag) =	ssettag $0x2  }
0x180: {  	s0 =	rddreg [dreg:$0x0];
	s2 =	stileid.u32  }
0x181: {  	s1 =	rddreg [dreg:$0x1];
	p0 =	sne.s32 s2, $0x0  }
0x182: {  	s3 =	rddreg [dreg:$0x2];
	[bflag:$0x3] =	sbarrier.arrive $0xFFFF;
	s2 =	simm.s32 @!p0 $0x1C01  }
0x183: {  	[timem:s3], [sflag:s2] =	dma.local @!p0 [hbm:s0], s1  }
0x184: {  	s0 =	simm.s32 @!p0 $0x1  }
0x185: {  	_ =	swait.ge @!p0 [sflag:s0], s1  }
0x186: {  	s1 =	ssub.s32 @!p0 $0x0, s1;
	[sflag:s0] =	ssyncset.done @!p0 $0x0  }
0x187: {  	[sflag:s0] =	ssyncadd.s32 @!p0 s1  }
0x188: {  	[bflag:$0x3] =	sbarrier.arrive $0xFFFF  }
0x189: {  	_ =	shalt  }

</sc_bundles>
